<compile_context>
chip_gen: v7x
topology: tpu7x:2x2x1
jax: 0.10.2.dev20260603
libtpu: 0.0.44.dev20260713+nightly
codegen_flags: <defaults>
</compile_context>

<pallas_src>
import functools

import jax
import jax.numpy as jnp
from jax import lax
from jax.experimental import pallas as pl
from jax.experimental.pallas import tpu as pltpu
from jax.experimental.pallas import tpu_sc as plsc

N = 10000
E = 320000
H = 128

NC = 2
NS = 16
NW = NC * NS
NPAD = 10240
RPS = NPAD // NS
EPW = E // NW
K = 80
CHUNKS = EPW // K

_mesh = plsc.VectorSubcoreMesh(core_axis_name="c", subcore_axis_name="s")


@functools.partial(
    pl.kernel,
    out_type=(
        jax.ShapeDtypeStruct((NC, NPAD, 16), jnp.float32),
        jax.ShapeDtypeStruct((NC, NPAD, 16), jnp.float32),
    ),
    mesh=_mesh,
    scratch_types=[
        pltpu.VMEM((K,), jnp.int32),
        pltpu.VMEM((K,), jnp.int32),
        pltpu.VMEM((K, 16), jnp.float32),
        pltpu.VMEM_SHARED((NPAD, 16), jnp.float32),
        pltpu.VMEM_SHARED((NPAD, 16), jnp.float32),
    ],
)
def _sc_degree(src_hbm, dst_hbm, zeros_hbm, ones_hbm,
               outs_hbm, outd_hbm,
               si_v, di_v, ones_v, degs_sh, degd_sh):
    c = lax.axis_index("c")
    s = lax.axis_index("s")
    wid = s * NC + c
    r0 = s * RPS
    pltpu.sync_copy(ones_hbm, ones_v)
    pltpu.sync_copy(zeros_hbm.at[pl.ds(r0, RPS)], degs_sh.at[pl.ds(r0, RPS)])
    pltpu.sync_copy(zeros_hbm.at[pl.ds(r0, RPS)], degd_sh.at[pl.ds(r0, RPS)])
    plsc.subcore_barrier()

    def body(j, carry):
        base = wid * EPW + j * K
        pltpu.sync_copy(src_hbm.at[pl.ds(base, K)], si_v)
        pltpu.sync_copy(dst_hbm.at[pl.ds(base, K)], di_v)
        pltpu.sync_copy(ones_v, degs_sh.at[si_v], add=True)
        pltpu.sync_copy(ones_v, degd_sh.at[di_v], add=True)
        return carry

    lax.fori_loop(0, CHUNKS, body, 0)
    plsc.subcore_barrier()
    pltpu.sync_copy(degs_sh.at[pl.ds(r0, RPS)], outs_hbm.at[c, pl.ds(r0, RPS)])
    pltpu.sync_copy(degd_sh.at[pl.ds(r0, RPS)], outd_hbm.at[c, pl.ds(r0, RPS)])


@functools.partial(
    pl.kernel,
    out_type=jax.ShapeDtypeStruct((NC, NPAD, H), jnp.float32),
    mesh=_mesh,
    scratch_types=[
        pltpu.VMEM((K,), jnp.int32),
        pltpu.VMEM((K,), jnp.int32),
        pltpu.VMEM((K, H), jnp.float32),
        pltpu.VMEM_SHARED((NPAD, H), jnp.float32),
        pltpu.SemaphoreType.DMA,
    ],
)
def _sc_aggregate(hs_hbm, src_hbm, dst_hbm, zeros_hbm, out_hbm,
                  si_v, di_v, rows_v, agg_sh, sem):
    c = lax.axis_index("c")
    s = lax.axis_index("s")
    wid = s * NC + c
    r0 = s * RPS
    pltpu.sync_copy(zeros_hbm.at[pl.ds(r0, RPS)], agg_sh.at[pl.ds(r0, RPS)])
    plsc.subcore_barrier()

    def body(j, carry):
        base = wid * EPW + j * K
        pltpu.sync_copy(src_hbm.at[pl.ds(base, K)], si_v)
        pltpu.sync_copy(dst_hbm.at[pl.ds(base, K)], di_v)
        pltpu.async_copy(hs_hbm.at[si_v], rows_v, sem).wait()
        pltpu.sync_copy(rows_v, agg_sh.at[di_v], add=True)
        return carry

    lax.fori_loop(0, CHUNKS, body, 0)
    plsc.subcore_barrier()
    pltpu.sync_copy(agg_sh.at[pl.ds(r0, RPS)], out_hbm.at[c, pl.ds(r0, RPS)])


BR = 1000


def _tc_mlp_body(x_ref, w_ref, b_ref, g_ref, bt_ref, degs_ref,
                 h_ref, hs_ref):
    t = jnp.dot(x_ref[...], w_ref[...], preferred_element_type=jnp.float32)
    t = t + b_ref[...]
    mu = jnp.mean(t, axis=-1, keepdims=True)
    var = jnp.mean((t - mu) * (t - mu), axis=-1, keepdims=True)
    t = (t - mu) * lax.rsqrt(var + 1e-5) * g_ref[...] + bt_ref[...]
    h = jnp.maximum(t, 0.0)
    ds_ = degs_ref[0, :, 0:1] + degs_ref[1, :, 0:1] + 1.0
    h_ref[...] = h
    hs_ref[...] = h * lax.rsqrt(ds_)


def _tc_mlp(x, W0, b0, g0, beta0, degs):
    return pl.pallas_call(
        _tc_mlp_body,
        grid=(N // BR,),
        in_specs=[
            pl.BlockSpec((BR, H), lambda i: (i, 0)),
            pl.BlockSpec((H, H), lambda i: (0, 0)),
            pl.BlockSpec((1, H), lambda i: (0, 0)),
            pl.BlockSpec((1, H), lambda i: (0, 0)),
            pl.BlockSpec((1, H), lambda i: (0, 0)),
            pl.BlockSpec((NC, BR, 16), lambda i: (0, i, 0)),
        ],
        out_specs=[
            pl.BlockSpec((BR, H), lambda i: (i, 0)),
            pl.BlockSpec((BR, H), lambda i: (i, 0)),
        ],
        out_shape=[
            jax.ShapeDtypeStruct((N, H), jnp.float32),
            jax.ShapeDtypeStruct((N, H), jnp.float32),
        ],
    )(x, W0, b0.reshape(1, H), g0.reshape(1, H), beta0.reshape(1, H), degs)


def _tc_hop_body(p_ref, hs_ref, degd_ref, w_ref, b_ref, h_ref, degs_ref,
                 hout_ref, hsout_ref):
    dd = degd_ref[0, :, 0:1] + degd_ref[1, :, 0:1] + 1.0
    agg = (p_ref[0] + p_ref[1] + hs_ref[...]) * lax.rsqrt(dd)
    t = jnp.dot(agg, w_ref[...], preferred_element_type=jnp.float32)
    t = jnp.maximum(t + b_ref[...], 0.0)
    hn = t + h_ref[...]
    ds_ = degs_ref[0, :, 0:1] + degs_ref[1, :, 0:1] + 1.0
    hout_ref[...] = hn
    hsout_ref[...] = hn * lax.rsqrt(ds_)


def _tc_hop(p, hs, degd, W, b, h, degs):
    return pl.pallas_call(
        _tc_hop_body,
        grid=(N // BR,),
        in_specs=[
            pl.BlockSpec((NC, BR, H), lambda i: (0, i, 0)),
            pl.BlockSpec((BR, H), lambda i: (i, 0)),
            pl.BlockSpec((NC, BR, 16), lambda i: (0, i, 0)),
            pl.BlockSpec((H, H), lambda i: (0, 0)),
            pl.BlockSpec((1, H), lambda i: (0, 0)),
            pl.BlockSpec((BR, H), lambda i: (i, 0)),
            pl.BlockSpec((NC, BR, 16), lambda i: (0, i, 0)),
        ],
        out_specs=[
            pl.BlockSpec((BR, H), lambda i: (i, 0)),
            pl.BlockSpec((BR, H), lambda i: (i, 0)),
        ],
        out_shape=[
            jax.ShapeDtypeStruct((N, H), jnp.float32),
            jax.ShapeDtypeStruct((N, H), jnp.float32),
        ],
    )(p, hs, degd, W, b.reshape(1, H), h, degs)


def kernel(x, edge_index, W0, b0, g0, beta0, W1, b1, W2, b2, W3, b3):
    src = edge_index[0]
    dst = edge_index[1]
    zeros16 = jnp.zeros((NPAD, 16), jnp.float32)
    ones16 = jnp.ones((K, 16), jnp.float32)
    zeros_big = jnp.zeros((NPAD, H), jnp.float32)

    degs, degd = _sc_degree(src, dst, zeros16, ones16)
    h, hs = _tc_mlp(x, W0, b0, g0, beta0, degs)
    for (W, b) in ((W1, b1), (W2, b2), (W3, b3)):
        p = _sc_aggregate(hs, src, dst, zeros_big)
        h, hs = _tc_hop(p, hs, degd, W, b, h, degs)
    return h

# --- scband reference (transcript-rebuilt; emitter-appended) ---
"""Pipeline reference for scband-ignnconv-69861938036824 (READ-ONLY COPY).

The authoritative reference and input builder live on the scoring server;
editing this copy changes nothing except your own understanding.
"""

import jax, jax.numpy as jnp
import numpy as np

N = 10000
E = 320000
D_IN = 128
H = 128
N_HOPS = 3


def layer_norm(x, g, b):
    mu = jnp.mean(x, axis=-1, keepdims=True)
    var = jnp.var(x, axis=-1, keepdims=True)
    return (x - mu) / jnp.sqrt(var + 1e-5) * g + b


def setup_inputs(seed: int = 0) -> dict:
    key = jax.random.key(seed)
    ks = jax.random.split(key, 8)
    x = jax.random.normal(ks[0], (N, D_IN), dtype=jnp.float32)
    edge_index = jax.random.randint(ks[1], (2, E), 0, N, dtype=jnp.int32)
    s0 = 1.0 / np.sqrt(D_IN)
    W0 = jax.random.uniform(ks[2], (D_IN, H), minval=-s0, maxval=s0, dtype=jnp.float32)
    b0 = jnp.zeros((H,), dtype=jnp.float32)
    g0 = jnp.ones((H,), dtype=jnp.float32)
    beta0 = jnp.zeros((H,), dtype=jnp.float32)
    sh = 1.0 / np.sqrt(H)
    W1 = jax.random.uniform(ks[3], (H, H), minval=-sh, maxval=sh, dtype=jnp.float32)
    b1 = jnp.zeros((H,), dtype=jnp.float32)
    W2 = jax.random.uniform(ks[4], (H, H), minval=-sh, maxval=sh, dtype=jnp.float32)
    b2 = jnp.zeros((H,), dtype=jnp.float32)
    W3 = jax.random.uniform(ks[5], (H, H), minval=-sh, maxval=sh, dtype=jnp.float32)
    b3 = jnp.zeros((H,), dtype=jnp.float32)
    return {"x": x, "edge_index": edge_index, "W0": W0, "b0": b0, "g0": g0, "beta0": beta0,
            "W1": W1, "b1": b1, "W2": W2, "b2": b2, "W3": W3, "b3": b3}


def reference(x, edge_index, W0, b0, g0, beta0, W1, b1, W2, b2, W3, b3):
    # IGNNConv with IN='gcn', RN='residual':
    #   h = MLP(x) ; for each hop: h = GraphConv(graph_with_self_loops, h) + h
    src = edge_index[0]
    dst = edge_index[1]
    loop = jnp.arange(N, dtype=src.dtype)
    src = jnp.concatenate([src, loop])
    dst = jnp.concatenate([dst, loop])
    # MLP: Linear -> LayerNorm -> ReLU (dropout is identity in eval)
    h = jax.nn.relu(layer_norm(x @ W0 + b0, g0, beta0))
    # DGL GraphConv norm='both': D_out^{-1/2} A D_in^{-1/2}
    deg_in = jnp.zeros((N,), jnp.float32).at[dst].add(1.0)
    deg_out = jnp.zeros((N,), jnp.float32).at[src].add(1.0)
    norm_src = jax.lax.rsqrt(jnp.maximum(deg_out, 1.0))
    norm_dst = jax.lax.rsqrt(jnp.maximum(deg_in, 1.0))
    for (W, b) in ((W1, b1), (W2, b2), (W3, b3)):
        m = (h * norm_src[:, None])[src]
        agg = jnp.zeros((N, H), jnp.float32).at[dst].add(m)
        agg = agg * norm_dst[:, None]
        h = jax.nn.relu(agg @ W + b) + h
    return h

if __name__ == "__main__":
    import jax
    _d = setup_inputs()
    print(jax.jit(kernel)(*tuple(_d.values())))

</pallas_src>

<mosaic_0001>
#map = affine_map<(d0, d1) -> (0)>
#map1 = affine_map<(d0, d1) -> (0, 0)>
#map2 = affine_map<(d0, d1) -> (0, 0, 0)>
module attributes {stable_mosaic.version = 14 : i64} {
  func.func @_sc_degree(%arg0: i32, %arg1: i32, %arg2: memref<320000xi32, #tpu.memory_space<hbm>>, %arg3: memref<320000xi32, #tpu.memory_space<hbm>>, %arg4: memref<10240x16xf32, #tpu.memory_space<hbm>>, %arg5: memref<80x16xf32, #tpu.memory_space<hbm>>, %arg6: memref<2x10240x16xf32, #tpu.memory_space<hbm>>, %arg7: memref<2x10240x16xf32, #tpu.memory_space<hbm>>, %arg8: memref<80xi32, #tpu.memory_space<vmem>>, %arg9: memref<80xi32, #tpu.memory_space<vmem>>, %arg10: memref<80x16xf32, #tpu.memory_space<vmem>>, %arg11: memref<10240x16xf32, #tpu.memory_space<vmem_shared>>, %arg12: memref<10240x16xf32, #tpu.memory_space<vmem_shared>>) attributes {dimension_semantics = [#tpu.dimension_semantics<core_parallel>, #tpu.dimension_semantics<subcore_parallel>], iteration_bounds = array<i64: 2, 16>, scalar_prefetch = 0 : i64, scratch_operands = 5 : i64, tpu.core_type = #tpu.core_type<sc_vector_subcore>, window_params = [{transform_indices = #map}, {transform_indices = #map}, {transform_indices = #map1}, {transform_indices = #map1}, {transform_indices = #map2}, {transform_indices = #map2}]} {
    %mul3A = arith.constant 2 : i32
    %mul3A_0 = arith.muli %arg1, %mul3A : i32
    %add3A = arith.addi %mul3A_0, %arg0 : i32
    %mul3A_1 = arith.constant 640 : i32
    %mul3A_2 = arith.muli %arg1, %mul3A_1 : i32
    "tpu.region"() ({
      %run_scoped3A = tpu.sem_alloc : memref<!tpu.dma_semaphore, #tpu.memory_space<semaphore_mem>>
      tpu.enqueue_dma source(%arg5 : memref<80x16xf32, #tpu.memory_space<hbm>>) target(%arg10 : memref<80x16xf32, #tpu.memory_space<vmem>>) target_semaphore(%run_scoped3A : memref<!tpu.dma_semaphore, #tpu.memory_space<semaphore_mem>>)
      tpu.wait_dma2 semaphore(%run_scoped3A : memref<!tpu.dma_semaphore, #tpu.memory_space<semaphore_mem>>) src(%arg5 : memref<80x16xf32, #tpu.memory_space<hbm>>) dst(%arg10 : memref<80x16xf32, #tpu.memory_space<vmem>>)
      tpu.yield
    }) : () -> ()
    "tpu.region"() ({
      %run_scoped3A = tpu.sem_alloc : memref<!tpu.dma_semaphore, #tpu.memory_space<semaphore_mem>>
      %dma_start3A = arith.constant 0 : i32
      %dma_start3A_9 = tpu.memref_slice %arg11[%mul3A_2, %dma_start3A] : memref<10240x16xf32, #tpu.memory_space<vmem_shared>> -> memref<640x16xf32, #tpu.memory_space<vmem_shared>>
      %dma_start3A_10 = arith.constant 0 : i32
      %dma_start3A_11 = tpu.memref_slice %arg4[%mul3A_2, %dma_start3A_10] : memref<10240x16xf32, #tpu.memory_space<hbm>> -> memref<640x16xf32, #tpu.memory_space<hbm>>
      tpu.enqueue_dma source(%dma_start3A_11 : memref<640x16xf32, #tpu.memory_space<hbm>>) target(%dma_start3A_9 : memref<640x16xf32, #tpu.memory_space<vmem_shared>>) target_semaphore(%run_scoped3A : memref<!tpu.dma_semaphore, #tpu.memory_space<semaphore_mem>>)
      %dma_wait3A = arith.constant 0 : i32
      %dma_wait3A_12 = tpu.memref_slice %arg11[%mul3A_2, %dma_wait3A] : memref<10240x16xf32, #tpu.memory_space<vmem_shared>> -> memref<640x16xf32, #tpu.memory_space<vmem_shared>>
      %dma_wait3A_13 = arith.constant 0 : i32
      %dma_wait3A_14 = tpu.memref_slice %arg4[%mul3A_2, %dma_wait3A_13] : memref<10240x16xf32, #tpu.memory_space<hbm>> -> memref<640x16xf32, #tpu.memory_space<hbm>>
      tpu.wait_dma2 semaphore(%run_scoped3A : memref<!tpu.dma_semaphore, #tpu.memory_space<semaphore_mem>>) src(%dma_wait3A_14 : memref<640x16xf32, #tpu.memory_space<hbm>>) dst(%dma_wait3A_12 : memref<640x16xf32, #tpu.memory_space<vmem_shared>>)
      tpu.yield
    }) : () -> ()
    "tpu.region"() ({
      %run_scoped3A = tpu.sem_alloc : memref<!tpu.dma_semaphore, #tpu.memory_space<semaphore_mem>>
      %dma_start3A = arith.constant 0 : i32
      %dma_start3A_9 = tpu.memref_slice %arg12[%mul3A_2, %dma_start3A] : memref<10240x16xf32, #tpu.memory_space<vmem_shared>> -> memref<640x16xf32, #tpu.memory_space<vmem_shared>>
      %dma_start3A_10 = arith.constant 0 : i32
      %dma_start3A_11 = tpu.memref_slice %arg4[%mul3A_2, %dma_start3A_10] : memref<10240x16xf32, #tpu.memory_space<hbm>> -> memref<640x16xf32, #tpu.memory_space<hbm>>
      tpu.enqueue_dma source(%dma_start3A_11 : memref<640x16xf32, #tpu.memory_space<hbm>>) target(%dma_start3A_9 : memref<640x16xf32, #tpu.memory_space<vmem_shared>>) target_semaphore(%run_scoped3A : memref<!tpu.dma_semaphore, #tpu.memory_space<semaphore_mem>>)
      %dma_wait3A = arith.constant 0 : i32
      %dma_wait3A_12 = tpu.memref_slice %arg12[%mul3A_2, %dma_wait3A] : memref<10240x16xf32, #tpu.memory_space<vmem_shared>> -> memref<640x16xf32, #tpu.memory_space<vmem_shared>>
      %dma_wait3A_13 = arith.constant 0 : i32
      %dma_wait3A_14 = tpu.memref_slice %arg4[%mul3A_2, %dma_wait3A_13] : memref<10240x16xf32, #tpu.memory_space<hbm>> -> memref<640x16xf32, #tpu.memory_space<hbm>>
      tpu.wait_dma2 semaphore(%run_scoped3A : memref<!tpu.dma_semaphore, #tpu.memory_space<semaphore_mem>>) src(%dma_wait3A_14 : memref<640x16xf32, #tpu.memory_space<hbm>>) dst(%dma_wait3A_12 : memref<640x16xf32, #tpu.memory_space<vmem_shared>>)
      tpu.yield
    }) : () -> ()
    %barrier3A = arith.constant 0 : index
    tpu.barrier barrier_id(%barrier3A)
    %scan3A = arith.constant 0 : i32
    %scan3A_3 = arith.constant 0 : i32
    %scan3A_4 = arith.constant 125 : i32
    %scan3A_5 = arith.addi %scan3A_3, %scan3A_4 : i32
    %scan3A_6 = arith.constant 1 : i32
    scf.for %scan3A_9 = %scan3A_3 to %scan3A_5 step %scan3A_6  : i32 {
      %mul3A_10 = arith.constant 10000 : i32
      %mul3A_11 = arith.muli %add3A, %mul3A_10 : i32
      %mul3A_12 = arith.constant 80 : i32
      %mul3A_13 = arith.muli %scan3A_9, %mul3A_12 : i32
      %add3A_14 = arith.addi %mul3A_11, %mul3A_13 : i32
      "tpu.region"() ({
        %run_scoped3A = tpu.sem_alloc : memref<!tpu.dma_semaphore, #tpu.memory_space<semaphore_mem>>
        %dma_start3A = tpu.memref_slice %arg2[%add3A_14] : memref<320000xi32, #tpu.memory_space<hbm>> -> memref<80xi32, #tpu.memory_space<hbm>>
        %dma_start3A_15 = tpu.memref_slice %arg2[%add3A_14] : memref<320000xi32, #tpu.memory_space<hbm>> -> memref<80xi32, #tpu.memory_space<hbm>>
        tpu.enqueue_dma source(%dma_start3A_15 : memref<80xi32, #tpu.memory_space<hbm>>) target(%arg8 : memref<80xi32, #tpu.memory_space<vmem>>) target_semaphore(%run_scoped3A : memref<!tpu.dma_semaphore, #tpu.memory_space<semaphore_mem>>)
        %dma_wait3A = tpu.memref_slice %arg2[%add3A_14] : memref<320000xi32, #tpu.memory_space<hbm>> -> memref<80xi32, #tpu.memory_space<hbm>>
        %dma_wait3A_16 = tpu.memref_slice %arg2[%add3A_14] : memref<320000xi32, #tpu.memory_space<hbm>> -> memref<80xi32, #tpu.memory_space<hbm>>
        tpu.wait_dma2 semaphore(%run_scoped3A : memref<!tpu.dma_semaphore, #tpu.memory_space<semaphore_mem>>) src(%dma_wait3A_16 : memref<80xi32, #tpu.memory_space<hbm>>) dst(%arg8 : memref<80xi32, #tpu.memory_space<vmem>>)
        tpu.yield
      }) : () -> ()
      "tpu.region"() ({
        %run_scoped3A = tpu.sem_alloc : memref<!tpu.dma_semaphore, #tpu.memory_space<semaphore_mem>>
        %dma_start3A = tpu.memref_slice %arg3[%add3A_14] : memref<320000xi32, #tpu.memory_space<hbm>> -> memref<80xi32, #tpu.memory_space<hbm>>
        %dma_start3A_15 = tpu.memref_slice %arg3[%add3A_14] : memref<320000xi32, #tpu.memory_space<hbm>> -> memref<80xi32, #tpu.memory_space<hbm>>
        tpu.enqueue_dma source(%dma_start3A_15 : memref<80xi32, #tpu.memory_space<hbm>>) target(%arg9 : memref<80xi32, #tpu.memory_space<vmem>>) target_semaphore(%run_scoped3A : memref<!tpu.dma_semaphore, #tpu.memory_space<semaphore_mem>>)
        %dma_wait3A = tpu.memref_slice %arg3[%add3A_14] : memref<320000xi32, #tpu.memory_space<hbm>> -> memref<80xi32, #tpu.memory_space<hbm>>
        %dma_wait3A_16 = tpu.memref_slice %arg3[%add3A_14] : memref<320000xi32, #tpu.memory_space<hbm>> -> memref<80xi32, #tpu.memory_space<hbm>>
        tpu.wait_dma2 semaphore(%run_scoped3A : memref<!tpu.dma_semaphore, #tpu.memory_space<semaphore_mem>>) src(%dma_wait3A_16 : memref<80xi32, #tpu.memory_space<hbm>>) dst(%arg9 : memref<80xi32, #tpu.memory_space<vmem>>)
        tpu.yield
      }) : () -> ()
      "tpu.region"() ({
        %run_scoped3A = tpu.sem_alloc : memref<!tpu.dma_semaphore, #tpu.memory_space<semaphore_mem>>
        %dma_start3A = arith.constant 0 : i32
        %dma_start3A_15 = arith.constant 0 : i32
        %dma_start3A_16 = tpu.memref_slice %arg11[%dma_start3A, %dma_start3A_15] : memref<10240x16xf32, #tpu.memory_space<vmem_shared>> -> memref<10240x16xf32, #tpu.memory_space<vmem_shared>>
        tpu.enqueue_indirect_dma source(%arg10 : memref<80x16xf32, #tpu.memory_space<vmem>>) target(%dma_start3A_16 : memref<10240x16xf32, #tpu.memory_space<vmem_shared>>) offsets(%arg8 : memref<80xi32, #tpu.memory_space<vmem>>) semaphore(%run_scoped3A : memref<!tpu.dma_semaphore, #tpu.memory_space<semaphore_mem>>) {add = true}
        %dma_wait3A = arith.constant 0 : i32
        %dma_wait3A_17 = arith.constant 0 : i32
        %dma_wait3A_18 = tpu.memref_slice %arg11[%dma_wait3A, %dma_wait3A_17] : memref<10240x16xf32, #tpu.memory_space<vmem_shared>> -> memref<10240x16xf32, #tpu.memory_space<vmem_shared>>
        tpu.wait_indirect_dma semaphore(%run_scoped3A : memref<!tpu.dma_semaphore, #tpu.memory_space<semaphore_mem>>) src(%arg10 : memref<80x16xf32, #tpu.memory_space<vmem>>) dst(%dma_wait3A_18 : memref<10240x16xf32, #tpu.memory_space<vmem_shared>>)
        tpu.yield
      }) : () -> ()
      "tpu.region"() ({
        %run_scoped3A = tpu.sem_alloc : memref<!tpu.dma_semaphore, #tpu.memory_space<semaphore_mem>>
        %dma_start3A = arith.constant 0 : i32
        %dma_start3A_15 = arith.constant 0 : i32
        %dma_start3A_16 = tpu.memref_slice %arg12[%dma_start3A, %dma_start3A_15] : memref<10240x16xf32, #tpu.memory_space<vmem_shared>> -> memref<10240x16xf32, #tpu.memory_space<vmem_shared>>
        tpu.enqueue_indirect_dma source(%arg10 : memref<80x16xf32, #tpu.memory_space<vmem>>) target(%dma_start3A_16 : memref<10240x16xf32, #tpu.memory_space<vmem_shared>>) offsets(%arg9 : memref<80xi32, #tpu.memory_space<vmem>>) semaphore(%run_scoped3A : memref<!tpu.dma_semaphore, #tpu.memory_space<semaphore_mem>>) {add = true}
        %dma_wait3A = arith.constant 0 : i32
        %dma_wait3A_17 = arith.constant 0 : i32
        %dma_wait3A_18 = tpu.memref_slice %arg12[%dma_wait3A, %dma_wait3A_17] : memref<10240x16xf32, #tpu.memory_space<vmem_shared>> -> memref<10240x16xf32, #tpu.memory_space<vmem_shared>>
        tpu.wait_indirect_dma semaphore(%run_scoped3A : memref<!tpu.dma_semaphore, #tpu.memory_space<semaphore_mem>>) src(%arg10 : memref<80x16xf32, #tpu.memory_space<vmem>>) dst(%dma_wait3A_18 : memref<10240x16xf32, #tpu.memory_space<vmem_shared>>)
        tpu.yield
      }) : () -> ()
    }
    %scan3A_7 = arith.constant 125 : i32
    %barrier3A_8 = arith.constant 0 : index
    tpu.barrier barrier_id(%barrier3A_8)
    "tpu.region"() ({
      %run_scoped3A = tpu.sem_alloc : memref<!tpu.dma_semaphore, #tpu.memory_space<semaphore_mem>>
      %dma_start3A = arith.constant 0 : i32
      %dma_start3A_9 = tpu.memref_slice %arg6[%arg0, %mul3A_2, %dma_start3A] : memref<2x10240x16xf32, #tpu.memory_space<hbm>> -> memref<1x640x16xf32, #tpu.memory_space<hbm>>
      %dma_start3A_10 = tpu.memref_squeeze %dma_start3A_9 : memref<1x640x16xf32, #tpu.memory_space<hbm>> -> memref<640x16xf32, #tpu.memory_space<hbm>>
      %dma_start3A_11 = arith.constant 0 : i32
      %dma_start3A_12 = tpu.memref_slice %arg11[%mul3A_2, %dma_start3A_11] : memref<10240x16xf32, #tpu.memory_space<vmem_shared>> -> memref<640x16xf32, #tpu.memory_space<vmem_shared>>
      tpu.enqueue_dma source(%dma_start3A_12 : memref<640x16xf32, #tpu.memory_space<vmem_shared>>) target(%dma_start3A_10 : memref<640x16xf32, #tpu.memory_space<hbm>>) target_semaphore(%run_scoped3A : memref<!tpu.dma_semaphore, #tpu.memory_space<semaphore_mem>>)
      %dma_wait3A = arith.constant 0 : i32
      %dma_wait3A_13 = tpu.memref_slice %arg6[%arg0, %mul3A_2, %dma_wait3A] : memref<2x10240x16xf32, #tpu.memory_space<hbm>> -> memref<1x640x16xf32, #tpu.memory_space<hbm>>
      %dma_wait3A_14 = tpu.memref_squeeze %dma_wait3A_13 : memref<1x640x16xf32, #tpu.memory_space<hbm>> -> memref<640x16xf32, #tpu.memory_space<hbm>>
      %dma_wait3A_15 = arith.constant 0 : i32
      %dma_wait3A_16 = tpu.memref_slice %arg11[%mul3A_2, %dma_wait3A_15] : memref<10240x16xf32, #tpu.memory_space<vmem_shared>> -> memref<640x16xf32, #tpu.memory_space<vmem_shared>>
      tpu.wait_dma2 semaphore(%run_scoped3A : memref<!tpu.dma_semaphore, #tpu.memory_space<semaphore_mem>>) src(%dma_wait3A_16 : memref<640x16xf32, #tpu.memory_space<vmem_shared>>) dst(%dma_wait3A_14 : memref<640x16xf32, #tpu.memory_space<hbm>>)
      tpu.yield
    }) : () -> ()
    "tpu.region"() ({
      %run_scoped3A = tpu.sem_alloc : memref<!tpu.dma_semaphore, #tpu.memory_space<semaphore_mem>>
      %dma_start3A = arith.constant 0 : i32
      %dma_start3A_9 = tpu.memref_slice %arg7[%arg0, %mul3A_2, %dma_start3A] : memref<2x10240x16xf32, #tpu.memory_space<hbm>> -> memref<1x640x16xf32, #tpu.memory_space<hbm>>
      %dma_start3A_10 = tpu.memref_squeeze %dma_start3A_9 : memref<1x640x16xf32, #tpu.memory_space<hbm>> -> memref<640x16xf32, #tpu.memory_space<hbm>>
      %dma_start3A_11 = arith.constant 0 : i32
      %dma_start3A_12 = tpu.memref_slice %arg12[%mul3A_2, %dma_start3A_11] : memref<10240x16xf32, #tpu.memory_space<vmem_shared>> -> memref<640x16xf32, #tpu.memory_space<vmem_shared>>
      tpu.enqueue_dma source(%dma_start3A_12 : memref<640x16xf32, #tpu.memory_space<vmem_shared>>) target(%dma_start3A_10 : memref<640x16xf32, #tpu.memory_space<hbm>>) target_semaphore(%run_scoped3A : memref<!tpu.dma_semaphore, #tpu.memory_space<semaphore_mem>>)
      %dma_wait3A = arith.constant 0 : i32
      %dma_wait3A_13 = tpu.memref_slice %arg7[%arg0, %mul3A_2, %dma_wait3A] : memref<2x10240x16xf32, #tpu.memory_space<hbm>> -> memref<1x640x16xf32, #tpu.memory_space<hbm>>
      %dma_wait3A_14 = tpu.memref_squeeze %dma_wait3A_13 : memref<1x640x16xf32, #tpu.memory_space<hbm>> -> memref<640x16xf32, #tpu.memory_space<hbm>>
      %dma_wait3A_15 = arith.constant 0 : i32
      %dma_wait3A_16 = tpu.memref_slice %arg12[%mul3A_2, %dma_wait3A_15] : memref<10240x16xf32, #tpu.memory_space<vmem_shared>> -> memref<640x16xf32, #tpu.memory_space<vmem_shared>>
      tpu.wait_dma2 semaphore(%run_scoped3A : memref<!tpu.dma_semaphore, #tpu.memory_space<semaphore_mem>>) src(%dma_wait3A_16 : memref<640x16xf32, #tpu.memory_space<vmem_shared>>) dst(%dma_wait3A_14 : memref<640x16xf32, #tpu.memory_space<hbm>>)
      tpu.yield
    }) : () -> ()
    return
  }
}

#map = affine_map<(d0, d1) -> (0, 0)>
#map1 = affine_map<(d0, d1) -> (0)>
#map2 = affine_map<(d0, d1) -> (0, 0, 0)>
module attributes {stable_mosaic.version = 14 : i64} {
  func.func @_sc_aggregate(%arg0: i32, %arg1: i32, %arg2: memref<10000x128xf32, #tpu.memory_space<hbm>>, %arg3: memref<320000xi32, #tpu.memory_space<hbm>>, %arg4: memref<320000xi32, #tpu.memory_space<hbm>>, %arg5: memref<10240x128xf32, #tpu.memory_space<hbm>>, %arg6: memref<2x10240x128xf32, #tpu.memory_space<hbm>>, %arg7: memref<80xi32, #tpu.memory_space<vmem>>, %arg8: memref<80xi32, #tpu.memory_space<vmem>>, %arg9: memref<80x128xf32, #tpu.memory_space<vmem>>, %arg10: memref<10240x128xf32, #tpu.memory_space<vmem_shared>>, %arg11: memref<!tpu.dma_semaphore, #tpu.memory_space<semaphore_mem>>) attributes {dimension_semantics = [#tpu.dimension_semantics<core_parallel>, #tpu.dimension_semantics<subcore_parallel>], iteration_bounds = array<i64: 2, 16>, scalar_prefetch = 0 : i64, scratch_operands = 5 : i64, tpu.core_type = #tpu.core_type<sc_vector_subcore>, window_params = [{transform_indices = #map}, {transform_indices = #map1}, {transform_indices = #map1}, {transform_indices = #map}, {transform_indices = #map2}]} {
    %mul3A = arith.constant 2 : i32
    %mul3A_0 = arith.muli %arg1, %mul3A : i32
    %add3A = arith.addi %mul3A_0, %arg0 : i32
    %mul3A_1 = arith.constant 640 : i32
    %mul3A_2 = arith.muli %arg1, %mul3A_1 : i32
    "tpu.region"() ({
      %run_scoped3A = tpu.sem_alloc : memref<!tpu.dma_semaphore, #tpu.memory_space<semaphore_mem>>
      %dma_start3A = arith.constant 0 : i32
      %dma_start3A_9 = tpu.memref_slice %arg10[%mul3A_2, %dma_start3A] : memref<10240x128xf32, #tpu.memory_space<vmem_shared>> -> memref<640x128xf32, #tpu.memory_space<vmem_shared>>
      %dma_start3A_10 = arith.constant 0 : i32
      %dma_start3A_11 = tpu.memref_slice %arg5[%mul3A_2, %dma_start3A_10] : memref<10240x128xf32, #tpu.memory_space<hbm>> -> memref<640x128xf32, #tpu.memory_space<hbm>>
      tpu.enqueue_dma source(%dma_start3A_11 : memref<640x128xf32, #tpu.memory_space<hbm>>) target(%dma_start3A_9 : memref<640x128xf32, #tpu.memory_space<vmem_shared>>) target_semaphore(%run_scoped3A : memref<!tpu.dma_semaphore, #tpu.memory_space<semaphore_mem>>)
      %dma_wait3A = arith.constant 0 : i32
      %dma_wait3A_12 = tpu.memref_slice %arg10[%mul3A_2, %dma_wait3A] : memref<10240x128xf32, #tpu.memory_space<vmem_shared>> -> memref<640x128xf32, #tpu.memory_space<vmem_shared>>
      %dma_wait3A_13 = arith.constant 0 : i32
      %dma_wait3A_14 = tpu.memref_slice %arg5[%mul3A_2, %dma_wait3A_13] : memref<10240x128xf32, #tpu.memory_space<hbm>> -> memref<640x128xf32, #tpu.memory_space<hbm>>
      tpu.wait_dma2 semaphore(%run_scoped3A : memref<!tpu.dma_semaphore, #tpu.memory_space<semaphore_mem>>) src(%dma_wait3A_14 : memref<640x128xf32, #tpu.memory_space<hbm>>) dst(%dma_wait3A_12 : memref<640x128xf32, #tpu.memory_space<vmem_shared>>)
      tpu.yield
    }) : () -> ()
    %barrier3A = arith.constant 0 : index
    tpu.barrier barrier_id(%barrier3A)
    %scan3A = arith.constant 0 : i32
    %scan3A_3 = arith.constant 0 : i32
    %scan3A_4 = arith.constant 125 : i32
    %scan3A_5 = arith.addi %scan3A_3, %scan3A_4 : i32
    %scan3A_6 = arith.constant 1 : i32
    scf.for %scan3A_9 = %scan3A_3 to %scan3A_5 step %scan3A_6  : i32 {
      %mul3A_10 = arith.constant 10000 : i32
      %mul3A_11 = arith.muli %add3A, %mul3A_10 : i32
      %mul3A_12 = arith.constant 80 : i32
      %mul3A_13 = arith.muli %scan3A_9, %mul3A_12 : i32
      %add3A_14 = arith.addi %mul3A_11, %mul3A_13 : i32
      "tpu.region"() ({
        %run_scoped3A = tpu.sem_alloc : memref<!tpu.dma_semaphore, #tpu.memory_space<semaphore_mem>>
        %dma_start3A_19 = tpu.memref_slice %arg3[%add3A_14] : memref<320000xi32, #tpu.memory_space<hbm>> -> memref<80xi32, #tpu.memory_space<hbm>>
        %dma_start3A_20 = tpu.memref_slice %arg3[%add3A_14] : memref<320000xi32, #tpu.memory_space<hbm>> -> memref<80xi32, #tpu.memory_space<hbm>>
        tpu.enqueue_dma source(%dma_start3A_20 : memref<80xi32, #tpu.memory_space<hbm>>) target(%arg7 : memref<80xi32, #tpu.memory_space<vmem>>) target_semaphore(%run_scoped3A : memref<!tpu.dma_semaphore, #tpu.memory_space<semaphore_mem>>)
        %dma_wait3A_21 = tpu.memref_slice %arg3[%add3A_14] : memref<320000xi32, #tpu.memory_space<hbm>> -> memref<80xi32, #tpu.memory_space<hbm>>
        %dma_wait3A_22 = tpu.memref_slice %arg3[%add3A_14] : memref<320000xi32, #tpu.memory_space<hbm>> -> memref<80xi32, #tpu.memory_space<hbm>>
        tpu.wait_dma2 semaphore(%run_scoped3A : memref<!tpu.dma_semaphore, #tpu.memory_space<semaphore_mem>>) src(%dma_wait3A_22 : memref<80xi32, #tpu.memory_space<hbm>>) dst(%arg7 : memref<80xi32, #tpu.memory_space<vmem>>)
        tpu.yield
      }) : () -> ()
      "tpu.region"() ({
        %run_scoped3A = tpu.sem_alloc : memref<!tpu.dma_semaphore, #tpu.memory_space<semaphore_mem>>
        %dma_start3A_19 = tpu.memref_slice %arg4[%add3A_14] : memref<320000xi32, #tpu.memory_space<hbm>> -> memref<80xi32, #tpu.memory_space<hbm>>
        %dma_start3A_20 = tpu.memref_slice %arg4[%add3A_14] : memref<320000xi32, #tpu.memory_space<hbm>> -> memref<80xi32, #tpu.memory_space<hbm>>
        tpu.enqueue_dma source(%dma_start3A_20 : memref<80xi32, #tpu.memory_space<hbm>>) target(%arg8 : memref<80xi32, #tpu.memory_space<vmem>>) target_semaphore(%run_scoped3A : memref<!tpu.dma_semaphore, #tpu.memory_space<semaphore_mem>>)
        %dma_wait3A_21 = tpu.memref_slice %arg4[%add3A_14] : memref<320000xi32, #tpu.memory_space<hbm>> -> memref<80xi32, #tpu.memory_space<hbm>>
        %dma_wait3A_22 = tpu.memref_slice %arg4[%add3A_14] : memref<320000xi32, #tpu.memory_space<hbm>> -> memref<80xi32, #tpu.memory_space<hbm>>
        tpu.wait_dma2 semaphore(%run_scoped3A : memref<!tpu.dma_semaphore, #tpu.memory_space<semaphore_mem>>) src(%dma_wait3A_22 : memref<80xi32, #tpu.memory_space<hbm>>) dst(%arg8 : memref<80xi32, #tpu.memory_space<vmem>>)
        tpu.yield
      }) : () -> ()
      %dma_start3A = arith.constant 0 : i32
      %dma_start3A_15 = arith.constant 0 : i32
      %dma_start3A_16 = tpu.memref_slice %arg2[%dma_start3A, %dma_start3A_15] : memref<10000x128xf32, #tpu.memory_space<hbm>> -> memref<10000x128xf32, #tpu.memory_space<hbm>>
      tpu.enqueue_indirect_dma source(%dma_start3A_16 : memref<10000x128xf32, #tpu.memory_space<hbm>>) target(%arg9 : memref<80x128xf32, #tpu.memory_space<vmem>>) offsets(%arg7 : memref<80xi32, #tpu.memory_space<vmem>>) semaphore(%arg11 : memref<!tpu.dma_semaphore, #tpu.memory_space<semaphore_mem>>)
      %dma_wait3A = arith.constant 0 : i32
      %dma_wait3A_17 = arith.constant 0 : i32
      %dma_wait3A_18 = tpu.memref_slice %arg2[%dma_wait3A, %dma_wait3A_17] : memref<10000x128xf32, #tpu.memory_space<hbm>> -> memref<10000x128xf32, #tpu.memory_space<hbm>>
      tpu.wait_indirect_dma semaphore(%arg11 : memref<!tpu.dma_semaphore, #tpu.memory_space<semaphore_mem>>) src(%dma_wait3A_18 : memref<10000x128xf32, #tpu.memory_space<hbm>>) dst(%arg9 : memref<80x128xf32, #tpu.memory_space<vmem>>)
      "tpu.region"() ({
        %run_scoped3A = tpu.sem_alloc : memref<!tpu.dma_semaphore, #tpu.memory_space<semaphore_mem>>
        %dma_start3A_19 = arith.constant 0 : i32
        %dma_start3A_20 = arith.constant 0 : i32
        %dma_start3A_21 = tpu.memref_slice %arg10[%dma_start3A_19, %dma_start3A_20] : memref<10240x128xf32, #tpu.memory_space<vmem_shared>> -> memref<10240x128xf32, #tpu.memory_space<vmem_shared>>
        tpu.enqueue_indirect_dma source(%arg9 : memref<80x128xf32, #tpu.memory_space<vmem>>) target(%dma_start3A_21 : memref<10240x128xf32, #tpu.memory_space<vmem_shared>>) offsets(%arg8 : memref<80xi32, #tpu.memory_space<vmem>>) semaphore(%run_scoped3A : memref<!tpu.dma_semaphore, #tpu.memory_space<semaphore_mem>>) {add = true}
        %dma_wait3A_22 = arith.constant 0 : i32
        %dma_wait3A_23 = arith.constant 0 : i32
        %dma_wait3A_24 = tpu.memref_slice %arg10[%dma_wait3A_22, %dma_wait3A_23] : memref<10240x128xf32, #tpu.memory_space<vmem_shared>> -> memref<10240x128xf32, #tpu.memory_space<vmem_shared>>
        tpu.wait_indirect_dma semaphore(%run_scoped3A : memref<!tpu.dma_semaphore, #tpu.memory_space<semaphore_mem>>) src(%arg9 : memref<80x128xf32, #tpu.memory_space<vmem>>) dst(%dma_wait3A_24 : memref<10240x128xf32, #tpu.memory_space<vmem_shared>>)
        tpu.yield
      }) : () -> ()
    }
    %scan3A_7 = arith.constant 125 : i32
    %barrier3A_8 = arith.constant 0 : index
    tpu.barrier barrier_id(%barrier3A_8)
    "tpu.region"() ({
      %run_scoped3A = tpu.sem_alloc : memref<!tpu.dma_semaphore, #tpu.memory_space<semaphore_mem>>
      %dma_start3A = arith.constant 0 : i32
      %dma_start3A_9 = tpu.memref_slice %arg6[%arg0, %mul3A_2, %dma_start3A] : memref<2x10240x128xf32, #tpu.memory_space<hbm>> -> memref<1x640x128xf32, #tpu.memory_space<hbm>>
      %dma_start3A_10 = tpu.memref_squeeze %dma_start3A_9 : memref<1x640x128xf32, #tpu.memory_space<hbm>> -> memref<640x128xf32, #tpu.memory_space<hbm>>
      %dma_start3A_11 = arith.constant 0 : i32
      %dma_start3A_12 = tpu.memref_slice %arg10[%mul3A_2, %dma_start3A_11] : memref<10240x128xf32, #tpu.memory_space<vmem_shared>> -> memref<640x128xf32, #tpu.memory_space<vmem_shared>>
      tpu.enqueue_dma source(%dma_start3A_12 : memref<640x128xf32, #tpu.memory_space<vmem_shared>>) target(%dma_start3A_10 : memref<640x128xf32, #tpu.memory_space<hbm>>) target_semaphore(%run_scoped3A : memref<!tpu.dma_semaphore, #tpu.memory_space<semaphore_mem>>)
      %dma_wait3A = arith.constant 0 : i32
      %dma_wait3A_13 = tpu.memref_slice %arg6[%arg0, %mul3A_2, %dma_wait3A] : memref<2x10240x128xf32, #tpu.memory_space<hbm>> -> memref<1x640x128xf32, #tpu.memory_space<hbm>>
      %dma_wait3A_14 = tpu.memref_squeeze %dma_wait3A_13 : memref<1x640x128xf32, #tpu.memory_space<hbm>> -> memref<640x128xf32, #tpu.memory_space<hbm>>
      %dma_wait3A_15 = arith.constant 0 : i32
      %dma_wait3A_16 = tpu.memref_slice %arg10[%mul3A_2, %dma_wait3A_15] : memref<10240x128xf32, #tpu.memory_space<vmem_shared>> -> memref<640x128xf32, #tpu.memory_space<vmem_shared>>
      tpu.wait_dma2 semaphore(%run_scoped3A : memref<!tpu.dma_semaphore, #tpu.memory_space<semaphore_mem>>) src(%dma_wait3A_16 : memref<640x128xf32, #tpu.memory_space<vmem_shared>>) dst(%dma_wait3A_14 : memref<640x128xf32, #tpu.memory_space<hbm>>)
      tpu.yield
    }) : () -> ()
    return
  }
}

#map = affine_map<(d0, d1) -> (0, 0)>
#map1 = affine_map<(d0, d1) -> (0)>
#map2 = affine_map<(d0, d1) -> (0, 0, 0)>
module attributes {stable_mosaic.version = 14 : i64} {
  func.func @_sc_aggregate(%arg0: i32, %arg1: i32, %arg2: memref<10000x128xf32, #tpu.memory_space<hbm>>, %arg3: memref<320000xi32, #tpu.memory_space<hbm>>, %arg4: memref<320000xi32, #tpu.memory_space<hbm>>, %arg5: memref<10240x128xf32, #tpu.memory_space<hbm>>, %arg6: memref<2x10240x128xf32, #tpu.memory_space<hbm>>, %arg7: memref<80xi32, #tpu.memory_space<vmem>>, %arg8: memref<80xi32, #tpu.memory_space<vmem>>, %arg9: memref<80x128xf32, #tpu.memory_space<vmem>>, %arg10: memref<10240x128xf32, #tpu.memory_space<vmem_shared>>, %arg11: memref<!tpu.dma_semaphore, #tpu.memory_space<semaphore_mem>>) attributes {dimension_semantics = [#tpu.dimension_semantics<core_parallel>, #tpu.dimension_semantics<subcore_parallel>], iteration_bounds = array<i64: 2, 16>, scalar_prefetch = 0 : i64, scratch_operands = 5 : i64, tpu.core_type = #tpu.core_type<sc_vector_subcore>, window_params = [{transform_indices = #map}, {transform_indices = #map1}, {transform_indices = #map1}, {transform_indices = #map}, {transform_indices = #map2}]} {
    %mul3A = arith.constant 2 : i32
    %mul3A_0 = arith.muli %arg1, %mul3A : i32
    %add3A = arith.addi %mul3A_0, %arg0 : i32
    %mul3A_1 = arith.constant 640 : i32
    %mul3A_2 = arith.muli %arg1, %mul3A_1 : i32
    "tpu.region"() ({
      %run_scoped3A = tpu.sem_alloc : memref<!tpu.dma_semaphore, #tpu.memory_space<semaphore_mem>>
      %dma_start3A = arith.constant 0 : i32
      %dma_start3A_9 = tpu.memref_slice %arg10[%mul3A_2, %dma_start3A] : memref<10240x128xf32, #tpu.memory_space<vmem_shared>> -> memref<640x128xf32, #tpu.memory_space<vmem_shared>>
      %dma_start3A_10 = arith.constant 0 : i32
      %dma_start3A_11 = tpu.memref_slice %arg5[%mul3A_2, %dma_start3A_10] : memref<10240x128xf32, #tpu.memory_space<hbm>> -> memref<640x128xf32, #tpu.memory_space<hbm>>
      tpu.enqueue_dma source(%dma_start3A_11 : memref<640x128xf32, #tpu.memory_space<hbm>>) target(%dma_start3A_9 : memref<640x128xf32, #tpu.memory_space<vmem_shared>>) target_semaphore(%run_scoped3A : memref<!tpu.dma_semaphore, #tpu.memory_space<semaphore_mem>>)
      %dma_wait3A = arith.constant 0 : i32
      %dma_wait3A_12 = tpu.memref_slice %arg10[%mul3A_2, %dma_wait3A] : memref<10240x128xf32, #tpu.memory_space<vmem_shared>> -> memref<640x128xf32, #tpu.memory_space<vmem_shared>>
      %dma_wait3A_13 = arith.constant 0 : i32
      %dma_wait3A_14 = tpu.memref_slice %arg5[%mul3A_2, %dma_wait3A_13] : memref<10240x128xf32, #tpu.memory_space<hbm>> -> memref<640x128xf32, #tpu.memory_space<hbm>>
      tpu.wait_dma2 semaphore(%run_scoped3A : memref<!tpu.dma_semaphore, #tpu.memory_space<semaphore_mem>>) src(%dma_wait3A_14 : memref<640x128xf32, #tpu.memory_space<hbm>>) dst(%dma_wait3A_12 : memref<640x128xf32, #tpu.memory_space<vmem_shared>>)
      tpu.yield
    }) : () -> ()
    %barrier3A = arith.constant 0 : index
    tpu.barrier barrier_id(%barrier3A)
    %scan3A = arith.constant 0 : i32
    %scan3A_3 = arith.constant 0 : i32
    %scan3A_4 = arith.constant 125 : i32
    %scan3A_5 = arith.addi %scan3A_3, %scan3A_4 : i32
    %scan3A_6 = arith.constant 1 : i32
    scf.for %scan3A_9 = %scan3A_3 to %scan3A_5 step %scan3A_6  : i32 {
      %mul3A_10 = arith.constant 10000 : i32
      %mul3A_11 = arith.muli %add3A, %mul3A_10 : i32
      %mul3A_12 = arith.constant 80 : i32
      %mul3A_13 = arith.muli %scan3A_9, %mul3A_12 : i32
      %add3A_14 = arith.addi %mul3A_11, %mul3A_13 : i32
      "tpu.region"() ({
        %run_scoped3A = tpu.sem_alloc : memref<!tpu.dma_semaphore, #tpu.memory_space<semaphore_mem>>
        %dma_start3A_19 = tpu.memref_slice %arg3[%add3A_14] : memref<320000xi32, #tpu.memory_space<hbm>> -> memref<80xi32, #tpu.memory_space<hbm>>
        %dma_start3A_20 = tpu.memref_slice %arg3[%add3A_14] : memref<320000xi32, #tpu.memory_space<hbm>> -> memref<80xi32, #tpu.memory_space<hbm>>
        tpu.enqueue_dma source(%dma_start3A_20 : memref<80xi32, #tpu.memory_space<hbm>>) target(%arg7 : memref<80xi32, #tpu.memory_space<vmem>>) target_semaphore(%run_scoped3A : memref<!tpu.dma_semaphore, #tpu.memory_space<semaphore_mem>>)
        %dma_wait3A_21 = tpu.memref_slice %arg3[%add3A_14] : memref<320000xi32, #tpu.memory_space<hbm>> -> memref<80xi32, #tpu.memory_space<hbm>>
        %dma_wait3A_22 = tpu.memref_slice %arg3[%add3A_14] : memref<320000xi32, #tpu.memory_space<hbm>> -> memref<80xi32, #tpu.memory_space<hbm>>
        tpu.wait_dma2 semaphore(%run_scoped3A : memref<!tpu.dma_semaphore, #tpu.memory_space<semaphore_mem>>) src(%dma_wait3A_22 : memref<80xi32, #tpu.memory_space<hbm>>) dst(%arg7 : memref<80xi32, #tpu.memory_space<vmem>>)
        tpu.yield
      }) : () -> ()
      "tpu.region"() ({
        %run_scoped3A = tpu.sem_alloc : memref<!tpu.dma_semaphore, #tpu.memory_space<semaphore_mem>>
        %dma_start3A_19 = tpu.memref_slice %arg4[%add3A_14] : memref<320000xi32, #tpu.memory_space<hbm>> -> memref<80xi32, #tpu.memory_space<hbm>>
        %dma_start3A_20 = tpu.memref_slice %arg4[%add3A_14] : memref<320000xi32, #tpu.memory_space<hbm>> -> memref<80xi32, #tpu.memory_space<hbm>>
        tpu.enqueue_dma source(%dma_start3A_20 : memref<80xi32, #tpu.memory_space<hbm>>) target(%arg8 : memref<80xi32, #tpu.memory_space<vmem>>) target_semaphore(%run_scoped3A : memref<!tpu.dma_semaphore, #tpu.memory_space<semaphore_mem>>)
        %dma_wait3A_21 = tpu.memref_slice %arg4[%add3A_14] : memref<320000xi32, #tpu.memory_space<hbm>> -> memref<80xi32, #tpu.memory_space<hbm>>
        %dma_wait3A_22 = tpu.memref_slice %arg4[%add3A_14] : memref<320000xi32, #tpu.memory_space<hbm>> -> memref<80xi32, #tpu.memory_space<hbm>>
        tpu.wait_dma2 semaphore(%run_scoped3A : memref<!tpu.dma_semaphore, #tpu.memory_space<semaphore_mem>>) src(%dma_wait3A_22 : memref<80xi32, #tpu.memory_space<hbm>>) dst(%arg8 : memref<80xi32, #tpu.memory_space<vmem>>)
        tpu.yield
      }) : () -> ()
      %dma_start3A = arith.constant 0 : i32
      %dma_start3A_15 = arith.constant 0 : i32
      %dma_start3A_16 = tpu.memref_slice %arg2[%dma_start3A, %dma_start3A_15] : memref<10000x128xf32, #tpu.memory_space<hbm>> -> memref<10000x128xf32, #tpu.memory_space<hbm>>
      tpu.enqueue_indirect_dma source(%dma_start3A_16 : memref<10000x128xf32, #tpu.memory_space<hbm>>) target(%arg9 : memref<80x128xf32, #tpu.memory_space<vmem>>) offsets(%arg7 : memref<80xi32, #tpu.memory_space<vmem>>) semaphore(%arg11 : memref<!tpu.dma_semaphore, #tpu.memory_space<semaphore_mem>>)
      %dma_wait3A = arith.constant 0 : i32
      %dma_wait3A_17 = arith.constant 0 : i32
      %dma_wait3A_18 = tpu.memref_slice %arg2[%dma_wait3A, %dma_wait3A_17] : memref<10000x128xf32, #tpu.memory_space<hbm>> -> memref<10000x128xf32, #tpu.memory_space<hbm>>
      tpu.wait_indirect_dma semaphore(%arg11 : memref<!tpu.dma_semaphore, #tpu.memory_space<semaphore_mem>>) src(%dma_wait3A_18 : memref<10000x128xf32, #tpu.memory_space<hbm>>) dst(%arg9 : memref<80x128xf32, #tpu.memory_space<vmem>>)
      "tpu.region"() ({
        %run_scoped3A = tpu.sem_alloc : memref<!tpu.dma_semaphore, #tpu.memory_space<semaphore_mem>>
        %dma_start3A_19 = arith.constant 0 : i32
        %dma_start3A_20 = arith.constant 0 : i32
        %dma_start3A_21 = tpu.memref_slice %arg10[%dma_start3A_19, %dma_start3A_20] : memref<10240x128xf32, #tpu.memory_space<vmem_shared>> -> memref<10240x128xf32, #tpu.memory_space<vmem_shared>>
        tpu.enqueue_indirect_dma source(%arg9 : memref<80x128xf32, #tpu.memory_space<vmem>>) target(%dma_start3A_21 : memref<10240x128xf32, #tpu.memory_space<vmem_shared>>) offsets(%arg8 : memref<80xi32, #tpu.memory_space<vmem>>) semaphore(%run_scoped3A : memref<!tpu.dma_semaphore, #tpu.memory_space<semaphore_mem>>) {add = true}
        %dma_wait3A_22 = arith.constant 0 : i32
        %dma_wait3A_23 = arith.constant 0 : i32
        %dma_wait3A_24 = tpu.memref_slice %arg10[%dma_wait3A_22, %dma_wait3A_23] : memref<10240x128xf32, #tpu.memory_space<vmem_shared>> -> memref<10240x128xf32, #tpu.memory_space<vmem_shared>>
        tpu.wait_indirect_dma semaphore(%run_scoped3A : memref<!tpu.dma_semaphore, #tpu.memory_space<semaphore_mem>>) src(%arg9 : memref<80x128xf32, #tpu.memory_space<vmem>>) dst(%dma_wait3A_24 : memref<10240x128xf32, #tpu.memory_space<vmem_shared>>)
        tpu.yield
      }) : () -> ()
    }
    %scan3A_7 = arith.constant 125 : i32
    %barrier3A_8 = arith.constant 0 : index
    tpu.barrier barrier_id(%barrier3A_8)
    "tpu.region"() ({
      %run_scoped3A = tpu.sem_alloc : memref<!tpu.dma_semaphore, #tpu.memory_space<semaphore_mem>>
      %dma_start3A = arith.constant 0 : i32
      %dma_start3A_9 = tpu.memref_slice %arg6[%arg0, %mul3A_2, %dma_start3A] : memref<2x10240x128xf32, #tpu.memory_space<hbm>> -> memref<1x640x128xf32, #tpu.memory_space<hbm>>
      %dma_start3A_10 = tpu.memref_squeeze %dma_start3A_9 : memref<1x640x128xf32, #tpu.memory_space<hbm>> -> memref<640x128xf32, #tpu.memory_space<hbm>>
      %dma_start3A_11 = arith.constant 0 : i32
      %dma_start3A_12 = tpu.memref_slice %arg10[%mul3A_2, %dma_start3A_11] : memref<10240x128xf32, #tpu.memory_space<vmem_shared>> -> memref<640x128xf32, #tpu.memory_space<vmem_shared>>
      tpu.enqueue_dma source(%dma_start3A_12 : memref<640x128xf32, #tpu.memory_space<vmem_shared>>) target(%dma_start3A_10 : memref<640x128xf32, #tpu.memory_space<hbm>>) target_semaphore(%run_scoped3A : memref<!tpu.dma_semaphore, #tpu.memory_space<semaphore_mem>>)
      %dma_wait3A = arith.constant 0 : i32
      %dma_wait3A_13 = tpu.memref_slice %arg6[%arg0, %mul3A_2, %dma_wait3A] : memref<2x10240x128xf32, #tpu.memory_space<hbm>> -> memref<1x640x128xf32, #tpu.memory_space<hbm>>
      %dma_wait3A_14 = tpu.memref_squeeze %dma_wait3A_13 : memref<1x640x128xf32, #tpu.memory_space<hbm>> -> memref<640x128xf32, #tpu.memory_space<hbm>>
      %dma_wait3A_15 = arith.constant 0 : i32
      %dma_wait3A_16 = tpu.memref_slice %arg10[%mul3A_2, %dma_wait3A_15] : memref<10240x128xf32, #tpu.memory_space<vmem_shared>> -> memref<640x128xf32, #tpu.memory_space<vmem_shared>>
      tpu.wait_dma2 semaphore(%run_scoped3A : memref<!tpu.dma_semaphore, #tpu.memory_space<semaphore_mem>>) src(%dma_wait3A_16 : memref<640x128xf32, #tpu.memory_space<vmem_shared>>) dst(%dma_wait3A_14 : memref<640x128xf32, #tpu.memory_space<hbm>>)
      tpu.yield
    }) : () -> ()
    return
  }
}

#map = affine_map<(d0, d1) -> (0, 0)>
#map1 = affine_map<(d0, d1) -> (0)>
#map2 = affine_map<(d0, d1) -> (0, 0, 0)>
module attributes {stable_mosaic.version = 14 : i64} {
  func.func @_sc_aggregate(%arg0: i32, %arg1: i32, %arg2: memref<10000x128xf32, #tpu.memory_space<hbm>>, %arg3: memref<320000xi32, #tpu.memory_space<hbm>>, %arg4: memref<320000xi32, #tpu.memory_space<hbm>>, %arg5: memref<10240x128xf32, #tpu.memory_space<hbm>>, %arg6: memref<2x10240x128xf32, #tpu.memory_space<hbm>>, %arg7: memref<80xi32, #tpu.memory_space<vmem>>, %arg8: memref<80xi32, #tpu.memory_space<vmem>>, %arg9: memref<80x128xf32, #tpu.memory_space<vmem>>, %arg10: memref<10240x128xf32, #tpu.memory_space<vmem_shared>>, %arg11: memref<!tpu.dma_semaphore, #tpu.memory_space<semaphore_mem>>) attributes {dimension_semantics = [#tpu.dimension_semantics<core_parallel>, #tpu.dimension_semantics<subcore_parallel>], iteration_bounds = array<i64: 2, 16>, scalar_prefetch = 0 : i64, scratch_operands = 5 : i64, tpu.core_type = #tpu.core_type<sc_vector_subcore>, window_params = [{transform_indices = #map}, {transform_indices = #map1}, {transform_indices = #map1}, {transform_indices = #map}, {transform_indices = #map2}]} {
    %mul3A = arith.constant 2 : i32
    %mul3A_0 = arith.muli %arg1, %mul3A : i32
    %add3A = arith.addi %mul3A_0, %arg0 : i32
    %mul3A_1 = arith.constant 640 : i32
    %mul3A_2 = arith.muli %arg1, %mul3A_1 : i32
    "tpu.region"() ({
      %run_scoped3A = tpu.sem_alloc : memref<!tpu.dma_semaphore, #tpu.memory_space<semaphore_mem>>
      %dma_start3A = arith.constant 0 : i32
      %dma_start3A_9 = tpu.memref_slice %arg10[%mul3A_2, %dma_start3A] : memref<10240x128xf32, #tpu.memory_space<vmem_shared>> -> memref<640x128xf32, #tpu.memory_space<vmem_shared>>
      %dma_start3A_10 = arith.constant 0 : i32
      %dma_start3A_11 = tpu.memref_slice %arg5[%mul3A_2, %dma_start3A_10] : memref<10240x128xf32, #tpu.memory_space<hbm>> -> memref<640x128xf32, #tpu.memory_space<hbm>>
      tpu.enqueue_dma source(%dma_start3A_11 : memref<640x128xf32, #tpu.memory_space<hbm>>) target(%dma_start3A_9 : memref<640x128xf32, #tpu.memory_space<vmem_shared>>) target_semaphore(%run_scoped3A : memref<!tpu.dma_semaphore, #tpu.memory_space<semaphore_mem>>)
      %dma_wait3A = arith.constant 0 : i32
      %dma_wait3A_12 = tpu.memref_slice %arg10[%mul3A_2, %dma_wait3A] : memref<10240x128xf32, #tpu.memory_space<vmem_shared>> -> memref<640x128xf32, #tpu.memory_space<vmem_shared>>
      %dma_wait3A_13 = arith.constant 0 : i32
      %dma_wait3A_14 = tpu.memref_slice %arg5[%mul3A_2, %dma_wait3A_13] : memref<10240x128xf32, #tpu.memory_space<hbm>> -> memref<640x128xf32, #tpu.memory_space<hbm>>
      tpu.wait_dma2 semaphore(%run_scoped3A : memref<!tpu.dma_semaphore, #tpu.memory_space<semaphore_mem>>) src(%dma_wait3A_14 : memref<640x128xf32, #tpu.memory_space<hbm>>) dst(%dma_wait3A_12 : memref<640x128xf32, #tpu.memory_space<vmem_shared>>)
      tpu.yield
    }) : () -> ()
    %barrier3A = arith.constant 0 : index
    tpu.barrier barrier_id(%barrier3A)
    %scan3A = arith.constant 0 : i32
    %scan3A_3 = arith.constant 0 : i32
    %scan3A_4 = arith.constant 125 : i32
    %scan3A_5 = arith.addi %scan3A_3, %scan3A_4 : i32
    %scan3A_6 = arith.constant 1 : i32
    scf.for %scan3A_9 = %scan3A_3 to %scan3A_5 step %scan3A_6  : i32 {
      %mul3A_10 = arith.constant 10000 : i32
      %mul3A_11 = arith.muli %add3A, %mul3A_10 : i32
      %mul3A_12 = arith.constant 80 : i32
      %mul3A_13 = arith.muli %scan3A_9, %mul3A_12 : i32
      %add3A_14 = arith.addi %mul3A_11, %mul3A_13 : i32
      "tpu.region"() ({
        %run_scoped3A = tpu.sem_alloc : memref<!tpu.dma_semaphore, #tpu.memory_space<semaphore_mem>>
        %dma_start3A_19 = tpu.memref_slice %arg3[%add3A_14] : memref<320000xi32, #tpu.memory_space<hbm>> -> memref<80xi32, #tpu.memory_space<hbm>>
        %dma_start3A_20 = tpu.memref_slice %arg3[%add3A_14] : memref<320000xi32, #tpu.memory_space<hbm>> -> memref<80xi32, #tpu.memory_space<hbm>>
        tpu.enqueue_dma source(%dma_start3A_20 : memref<80xi32, #tpu.memory_space<hbm>>) target(%arg7 : memref<80xi32, #tpu.memory_space<vmem>>) target_semaphore(%run_scoped3A : memref<!tpu.dma_semaphore, #tpu.memory_space<semaphore_mem>>)
        %dma_wait3A_21 = tpu.memref_slice %arg3[%add3A_14] : memref<320000xi32, #tpu.memory_space<hbm>> -> memref<80xi32, #tpu.memory_space<hbm>>
        %dma_wait3A_22 = tpu.memref_slice %arg3[%add3A_14] : memref<320000xi32, #tpu.memory_space<hbm>> -> memref<80xi32, #tpu.memory_space<hbm>>
        tpu.wait_dma2 semaphore(%run_scoped3A : memref<!tpu.dma_semaphore, #tpu.memory_space<semaphore_mem>>) src(%dma_wait3A_22 : memref<80xi32, #tpu.memory_space<hbm>>) dst(%arg7 : memref<80xi32, #tpu.memory_space<vmem>>)
        tpu.yield
      }) : () -> ()
      "tpu.region"() ({
        %run_scoped3A = tpu.sem_alloc : memref<!tpu.dma_semaphore, #tpu.memory_space<semaphore_mem>>
        %dma_start3A_19 = tpu.memref_slice %arg4[%add3A_14] : memref<320000xi32, #tpu.memory_space<hbm>> -> memref<80xi32, #tpu.memory_space<hbm>>
        %dma_start3A_20 = tpu.memref_slice %arg4[%add3A_14] : memref<320000xi32, #tpu.memory_space<hbm>> -> memref<80xi32, #tpu.memory_space<hbm>>
        tpu.enqueue_dma source(%dma_start3A_20 : memref<80xi32, #tpu.memory_space<hbm>>) target(%arg8 : memref<80xi32, #tpu.memory_space<vmem>>) target_semaphore(%run_scoped3A : memref<!tpu.dma_semaphore, #tpu.memory_space<semaphore_mem>>)
        %dma_wait3A_21 = tpu.memref_slice %arg4[%add3A_14] : memref<320000xi32, #tpu.memory_space<hbm>> -> memref<80xi32, #tpu.memory_space<hbm>>
        %dma_wait3A_22 = tpu.memref_slice %arg4[%add3A_14] : memref<320000xi32, #tpu.memory_space<hbm>> -> memref<80xi32, #tpu.memory_space<hbm>>
        tpu.wait_dma2 semaphore(%run_scoped3A : memref<!tpu.dma_semaphore, #tpu.memory_space<semaphore_mem>>) src(%dma_wait3A_22 : memref<80xi32, #tpu.memory_space<hbm>>) dst(%arg8 : memref<80xi32, #tpu.memory_space<vmem>>)
        tpu.yield
      }) : () -> ()
      %dma_start3A = arith.constant 0 : i32
      %dma_start3A_15 = arith.constant 0 : i32
      %dma_start3A_16 = tpu.memref_slice %arg2[%dma_start3A, %dma_start3A_15] : memref<10000x128xf32, #tpu.memory_space<hbm>> -> memref<10000x128xf32, #tpu.memory_space<hbm>>
      tpu.enqueue_indirect_dma source(%dma_start3A_16 : memref<10000x128xf32, #tpu.memory_space<hbm>>) target(%arg9 : memref<80x128xf32, #tpu.memory_space<vmem>>) offsets(%arg7 : memref<80xi32, #tpu.memory_space<vmem>>) semaphore(%arg11 : memref<!tpu.dma_semaphore, #tpu.memory_space<semaphore_mem>>)
      %dma_wait3A = arith.constant 0 : i32
      %dma_wait3A_17 = arith.constant 0 : i32
      %dma_wait3A_18 = tpu.memref_slice %arg2[%dma_wait3A, %dma_wait3A_17] : memref<10000x128xf32, #tpu.memory_space<hbm>> -> memref<10000x128xf32, #tpu.memory_space<hbm>>
      tpu.wait_indirect_dma semaphore(%arg11 : memref<!tpu.dma_semaphore, #tpu.memory_space<semaphore_mem>>) src(%dma_wait3A_18 : memref<10000x128xf32, #tpu.memory_space<hbm>>) dst(%arg9 : memref<80x128xf32, #tpu.memory_space<vmem>>)
      "tpu.region"() ({
        %run_scoped3A = tpu.sem_alloc : memref<!tpu.dma_semaphore, #tpu.memory_space<semaphore_mem>>
        %dma_start3A_19 = arith.constant 0 : i32
        %dma_start3A_20 = arith.constant 0 : i32
        %dma_start3A_21 = tpu.memref_slice %arg10[%dma_start3A_19, %dma_start3A_20] : memref<10240x128xf32, #tpu.memory_space<vmem_shared>> -> memref<10240x128xf32, #tpu.memory_space<vmem_shared>>
        tpu.enqueue_indirect_dma source(%arg9 : memref<80x128xf32, #tpu.memory_space<vmem>>) target(%dma_start3A_21 : memref<10240x128xf32, #tpu.memory_space<vmem_shared>>) offsets(%arg8 : memref<80xi32, #tpu.memory_space<vmem>>) semaphore(%run_scoped3A : memref<!tpu.dma_semaphore, #tpu.memory_space<semaphore_mem>>) {add = true}
        %dma_wait3A_22 = arith.constant 0 : i32
        %dma_wait3A_23 = arith.constant 0 : i32
        %dma_wait3A_24 = tpu.memref_slice %arg10[%dma_wait3A_22, %dma_wait3A_23] : memref<10240x128xf32, #tpu.memory_space<vmem_shared>> -> memref<10240x128xf32, #tpu.memory_space<vmem_shared>>
        tpu.wait_indirect_dma semaphore(%run_scoped3A : memref<!tpu.dma_semaphore, #tpu.memory_space<semaphore_mem>>) src(%arg9 : memref<80x128xf32, #tpu.memory_space<vmem>>) dst(%dma_wait3A_24 : memref<10240x128xf32, #tpu.memory_space<vmem_shared>>)
        tpu.yield
      }) : () -> ()
    }
    %scan3A_7 = arith.constant 125 : i32
    %barrier3A_8 = arith.constant 0 : index
    tpu.barrier barrier_id(%barrier3A_8)
    "tpu.region"() ({
      %run_scoped3A = tpu.sem_alloc : memref<!tpu.dma_semaphore, #tpu.memory_space<semaphore_mem>>
      %dma_start3A = arith.constant 0 : i32
      %dma_start3A_9 = tpu.memref_slice %arg6[%arg0, %mul3A_2, %dma_start3A] : memref<2x10240x128xf32, #tpu.memory_space<hbm>> -> memref<1x640x128xf32, #tpu.memory_space<hbm>>
      %dma_start3A_10 = tpu.memref_squeeze %dma_start3A_9 : memref<1x640x128xf32, #tpu.memory_space<hbm>> -> memref<640x128xf32, #tpu.memory_space<hbm>>
      %dma_start3A_11 = arith.constant 0 : i32
      %dma_start3A_12 = tpu.memref_slice %arg10[%mul3A_2, %dma_start3A_11] : memref<10240x128xf32, #tpu.memory_space<vmem_shared>> -> memref<640x128xf32, #tpu.memory_space<vmem_shared>>
      tpu.enqueue_dma source(%dma_start3A_12 : memref<640x128xf32, #tpu.memory_space<vmem_shared>>) target(%dma_start3A_10 : memref<640x128xf32, #tpu.memory_space<hbm>>) target_semaphore(%run_scoped3A : memref<!tpu.dma_semaphore, #tpu.memory_space<semaphore_mem>>)
      %dma_wait3A = arith.constant 0 : i32
      %dma_wait3A_13 = tpu.memref_slice %arg6[%arg0, %mul3A_2, %dma_wait3A] : memref<2x10240x128xf32, #tpu.memory_space<hbm>> -> memref<1x640x128xf32, #tpu.memory_space<hbm>>
      %dma_wait3A_14 = tpu.memref_squeeze %dma_wait3A_13 : memref<1x640x128xf32, #tpu.memory_space<hbm>> -> memref<640x128xf32, #tpu.memory_space<hbm>>
      %dma_wait3A_15 = arith.constant 0 : i32
      %dma_wait3A_16 = tpu.memref_slice %arg10[%mul3A_2, %dma_wait3A_15] : memref<10240x128xf32, #tpu.memory_space<vmem_shared>> -> memref<640x128xf32, #tpu.memory_space<vmem_shared>>
      tpu.wait_dma2 semaphore(%run_scoped3A : memref<!tpu.dma_semaphore, #tpu.memory_space<semaphore_mem>>) src(%dma_wait3A_16 : memref<640x128xf32, #tpu.memory_space<vmem_shared>>) dst(%dma_wait3A_14 : memref<640x128xf32, #tpu.memory_space<hbm>>)
      tpu.yield
    }) : () -> ()
    return
  }
}

module attributes {stable_mosaic.version = 14 : i64} {
  func.func @_tc_mlp_body(%arg0: i32, %arg1: memref<1000x128xf32, #tpu.memory_space<vmem>>, %arg2: memref<128x128xf32, #tpu.memory_space<vmem>>, %arg3: memref<1x128xf32, #tpu.memory_space<vmem>>, %arg4: memref<1x128xf32, #tpu.memory_space<vmem>>, %arg5: memref<1x128xf32, #tpu.memory_space<vmem>>, %arg6: memref<2x1000x16xf32, #tpu.memory_space<vmem>>, %arg7: memref<1000x128xf32, #tpu.memory_space<vmem>>, %arg8: memref<1000x128xf32, #tpu.memory_space<vmem>>) attributes {dimension_semantics = [#tpu.dimension_semantics<arbitrary>], iteration_bounds = array<i64: 10>, scalar_prefetch = 0 : i64, scratch_operands = 0 : i64, tpu.core_type = #tpu.core_type<tc>, window_params = [{transform_indices = @transform_0, window_bounds = array<i64: 1000, 128>}, {pipeline_mode = #tpu.pipeline_mode<synchronous>, transform_indices = @transform_1, window_bounds = array<i64: 128, 128>}, {pipeline_mode = #tpu.pipeline_mode<synchronous>, transform_indices = @transform_2, window_bounds = array<i64: 1, 128>}, {pipeline_mode = #tpu.pipeline_mode<synchronous>, transform_indices = @transform_3, window_bounds = array<i64: 1, 128>}, {pipeline_mode = #tpu.pipeline_mode<synchronous>, transform_indices = @transform_4, window_bounds = array<i64: 1, 128>}, {transform_indices = @transform_5, window_bounds = array<i64: 2, 1000, 16>}, {transform_indices = @transform_6, window_bounds = array<i64: 1000, 128>}, {transform_indices = @transform_7, window_bounds = array<i64: 1000, 128>}]} {
    %get3A = arith.constant 0 : index
    %get3A_0 = arith.constant 0 : index
    %get3A_1 = vector.load %arg1[%get3A, %get3A_0] : memref<1000x128xf32, #tpu.memory_space<vmem>>, vector<1000x128xf32>
    %get3A_2 = arith.constant 0 : index
    %get3A_3 = arith.constant 0 : index
    %get3A_4 = vector.load %arg2[%get3A_2, %get3A_3] : memref<128x128xf32, #tpu.memory_space<vmem>>, vector<128x128xf32>
    %dot_general3A = arith.constant dense<0.000000e+00> : vector<1000x128xf32>
    %dot_general3A_5 = tpu.matmul %get3A_1, %get3A_4, %dot_general3A {dimension_numbers = #tpu.dot_dimension_numbers<[1], [0], [0], [1], [0, 0, 1, 1], [], []>, transpose_lhs_hint = false} : vector<1000x128xf32>, vector<128x128xf32>, vector<1000x128xf32> -> vector<1000x128xf32>
    %get3A_6 = arith.constant 0 : index
    %get3A_7 = arith.constant 0 : index
    %get3A_8 = vector.load %arg3[%get3A_6, %get3A_7] : memref<1x128xf32, #tpu.memory_space<vmem>>, vector<1x128xf32>
    %add3A = vector.broadcast %get3A_8 : vector<1x128xf32> to vector<1000x128xf32>
    %add3A_9 = arith.addf %dot_general3A_5, %add3A : vector<1000x128xf32>
    %reduce_sum3A = arith.constant dense<0.000000e+00> : vector<1000xf32>
    %reduce_sum3A_10 = vector.multi_reduction <add>, %add3A_9, %reduce_sum3A [1] : vector<1000x128xf32> to vector<1000xf32>
    %broadcast_in_dim3A = vector.shape_cast %reduce_sum3A_10 : vector<1000xf32> to vector<1000x1xf32>
    %div3A = arith.constant 1.280000e+02 : f32
    %div3A_11 = vector.broadcast %div3A : f32 to vector<1000x1xf32>
    %div3A_12 = arith.divf %broadcast_in_dim3A, %div3A_11 : vector<1000x1xf32>
    %sub3A = vector.broadcast %div3A_12 : vector<1000x1xf32> to vector<1000x128xf32>
    %sub3A_13 = arith.subf %add3A_9, %sub3A : vector<1000x128xf32>
    %sub3A_14 = vector.broadcast %div3A_12 : vector<1000x1xf32> to vector<1000x128xf32>
    %sub3A_15 = arith.subf %add3A_9, %sub3A_14 : vector<1000x128xf32>
    %mul3A = arith.mulf %sub3A_13, %sub3A_15 : vector<1000x128xf32>
    %reduce_sum3A_16 = arith.constant dense<0.000000e+00> : vector<1000xf32>
    %reduce_sum3A_17 = vector.multi_reduction <add>, %mul3A, %reduce_sum3A_16 [1] : vector<1000x128xf32> to vector<1000xf32>
    %broadcast_in_dim3A_18 = vector.shape_cast %reduce_sum3A_17 : vector<1000xf32> to vector<1000x1xf32>
    %div3A_19 = arith.constant 1.280000e+02 : f32
    %div3A_20 = vector.broadcast %div3A_19 : f32 to vector<1000x1xf32>
    %div3A_21 = arith.divf %broadcast_in_dim3A_18, %div3A_20 : vector<1000x1xf32>
    %sub3A_22 = vector.broadcast %div3A_12 : vector<1000x1xf32> to vector<1000x128xf32>
    %sub3A_23 = arith.subf %add3A_9, %sub3A_22 : vector<1000x128xf32>
    %add3A_24 = arith.constant 9.99999974E-6 : f32
    %add3A_25 = vector.broadcast %add3A_24 : f32 to vector<1000x1xf32>
    %add3A_26 = arith.addf %div3A_21, %add3A_25 : vector<1000x1xf32>
    %rsqrt3A = math.rsqrt %add3A_26 : vector<1000x1xf32>
    %mul3A_27 = vector.broadcast %rsqrt3A : vector<1000x1xf32> to vector<1000x128xf32>
    %mul3A_28 = arith.mulf %sub3A_23, %mul3A_27 : vector<1000x128xf32>
    %get3A_29 = arith.constant 0 : index
    %get3A_30 = arith.constant 0 : index
    %get3A_31 = vector.load %arg4[%get3A_29, %get3A_30] : memref<1x128xf32, #tpu.memory_space<vmem>>, vector<1x128xf32>
    %mul3A_32 = vector.broadcast %get3A_31 : vector<1x128xf32> to vector<1000x128xf32>
    %mul3A_33 = arith.mulf %mul3A_28, %mul3A_32 : vector<1000x128xf32>
    %get3A_34 = arith.constant 0 : index
    %get3A_35 = arith.constant 0 : index
    %get3A_36 = vector.load %arg5[%get3A_34, %get3A_35] : memref<1x128xf32, #tpu.memory_space<vmem>>, vector<1x128xf32>
    %add3A_37 = vector.broadcast %get3A_36 : vector<1x128xf32> to vector<1000x128xf32>
    %add3A_38 = arith.addf %mul3A_33, %add3A_37 : vector<1000x128xf32>
    %max3A = arith.constant 0.000000e+00 : f32
    %max3A_39 = vector.broadcast %max3A : f32 to vector<1000x128xf32>
    %max3A_40 = arith.maximumf %add3A_38, %max3A_39 : vector<1000x128xf32>
    %get3A_41 = arith.constant 0 : index
    %get3A_42 = arith.constant 0 : index
    %get3A_43 = arith.constant 0 : index
    %get3A_44 = vector.load %arg6[%get3A_41, %get3A_42, %get3A_43] : memref<2x1000x16xf32, #tpu.memory_space<vmem>>, vector<1x1000x1xf32>
    %get3A_45 = vector.shape_cast %get3A_44 : vector<1x1000x1xf32> to vector<1000x1xf32>
    %get3A_46 = arith.constant 1 : index
    %get3A_47 = arith.constant 0 : index
    %get3A_48 = arith.constant 0 : index
    %get3A_49 = vector.load %arg6[%get3A_46, %get3A_47, %get3A_48] : memref<2x1000x16xf32, #tpu.memory_space<vmem>>, vector<1x1000x1xf32>
    %get3A_50 = vector.shape_cast %get3A_49 : vector<1x1000x1xf32> to vector<1000x1xf32>
    %add3A_51 = arith.addf %get3A_45, %get3A_50 : vector<1000x1xf32>
    %add3A_52 = arith.constant 1.000000e+00 : f32
    %add3A_53 = vector.broadcast %add3A_52 : f32 to vector<1000x1xf32>
    %add3A_54 = arith.addf %add3A_51, %add3A_53 : vector<1000x1xf32>
    %swap3A = arith.constant 0 : index
    %swap3A_55 = arith.constant 0 : index
    %swap3A_56 = vector.load %arg7[%swap3A, %swap3A_55] : memref<1000x128xf32, #tpu.memory_space<vmem>>, vector<1000x128xf32>
    tpu.vector_store %arg7[%swap3A, %swap3A_55], %max3A_40 {strides = array<i32>} : memref<1000x128xf32, #tpu.memory_space<vmem>>, vector<1000x128xf32>,
    %rsqrt3A_57 = math.rsqrt %add3A_54 : vector<1000x1xf32>
    %mul3A_58 = vector.broadcast %rsqrt3A_57 : vector<1000x1xf32> to vector<1000x128xf32>
    %mul3A_59 = arith.mulf %max3A_40, %mul3A_58 : vector<1000x128xf32>
    %swap3A_60 = arith.constant 0 : index
    %swap3A_61 = arith.constant 0 : index
    %swap3A_62 = vector.load %arg8[%swap3A_60, %swap3A_61] : memref<1000x128xf32, #tpu.memory_space<vmem>>, vector<1000x128xf32>
    tpu.vector_store %arg8[%swap3A_60, %swap3A_61], %mul3A_59 {strides = array<i32>} : memref<1000x128xf32, #tpu.memory_space<vmem>>, vector<1000x128xf32>,
    return
  }
  func.func @transform_0(%arg0: i32) -> (i32, i32) {
    %c0_i32 = arith.constant 0 : i32
    %c0_i32_0 = arith.constant 0 : i32
    return %arg0, %c0_i32 : i32, i32
  }
  func.func @transform_1(%arg0: i32) -> (i32, i32) {
    %c0_i32 = arith.constant 0 : i32
    %c0_i32_0 = arith.constant 0 : i32
    %c0_i32_1 = arith.constant 0 : i32
    return %c0_i32, %c0_i32_0 : i32, i32
  }
  func.func @transform_2(%arg0: i32) -> (i32, i32) {
    %c0_i32 = arith.constant 0 : i32
    %c0_i32_0 = arith.constant 0 : i32
    %c0_i32_1 = arith.constant 0 : i32
    return %c0_i32, %c0_i32_0 : i32, i32
  }
  func.func @transform_3(%arg0: i32) -> (i32, i32) {
    %c0_i32 = arith.constant 0 : i32
    %c0_i32_0 = arith.constant 0 : i32
    %c0_i32_1 = arith.constant 0 : i32
    return %c0_i32, %c0_i32_0 : i32, i32
  }
  func.func @transform_4(%arg0: i32) -> (i32, i32) {
    %c0_i32 = arith.constant 0 : i32
    %c0_i32_0 = arith.constant 0 : i32
    %c0_i32_1 = arith.constant 0 : i32
    return %c0_i32, %c0_i32_0 : i32, i32
  }
  func.func @transform_5(%arg0: i32) -> (i32, i32, i32) {
    %c0_i32 = arith.constant 0 : i32
    %c0_i32_0 = arith.constant 0 : i32
    %c0_i32_1 = arith.constant 0 : i32
    return %c0_i32, %arg0, %c0_i32_0 : i32, i32, i32
  }
  func.func @transform_6(%arg0: i32) -> (i32, i32) {
    %c0_i32 = arith.constant 0 : i32
    %c0_i32_0 = arith.constant 0 : i32
    return %arg0, %c0_i32 : i32, i32
  }
  func.func @transform_7(%arg0: i32) -> (i32, i32) {
    %c0_i32 = arith.constant 0 : i32
    %c0_i32_0 = arith.constant 0 : i32
    return %arg0, %c0_i32 : i32, i32
  }
}

module attributes {stable_mosaic.version = 14 : i64} {
  func.func @_tc_hop_body(%arg0: i32, %arg1: memref<2x1000x128xf32, #tpu.memory_space<vmem>>, %arg2: memref<1000x128xf32, #tpu.memory_space<vmem>>, %arg3: memref<2x1000x16xf32, #tpu.memory_space<vmem>>, %arg4: memref<128x128xf32, #tpu.memory_space<vmem>>, %arg5: memref<1x128xf32, #tpu.memory_space<vmem>>, %arg6: memref<1000x128xf32, #tpu.memory_space<vmem>>, %arg7: memref<2x1000x16xf32, #tpu.memory_space<vmem>>, %arg8: memref<1000x128xf32, #tpu.memory_space<vmem>>, %arg9: memref<1000x128xf32, #tpu.memory_space<vmem>>) attributes {dimension_semantics = [#tpu.dimension_semantics<arbitrary>], iteration_bounds = array<i64: 10>, scalar_prefetch = 0 : i64, scratch_operands = 0 : i64, tpu.core_type = #tpu.core_type<tc>, window_params = [{transform_indices = @transform_0, window_bounds = array<i64: 2, 1000, 128>}, {transform_indices = @transform_1, window_bounds = array<i64: 1000, 128>}, {transform_indices = @transform_2, window_bounds = array<i64: 2, 1000, 16>}, {pipeline_mode = #tpu.pipeline_mode<synchronous>, transform_indices = @transform_3, window_bounds = array<i64: 128, 128>}, {pipeline_mode = #tpu.pipeline_mode<synchronous>, transform_indices = @transform_4, window_bounds = array<i64: 1, 128>}, {transform_indices = @transform_5, window_bounds = array<i64: 1000, 128>}, {transform_indices = @transform_6, window_bounds = array<i64: 2, 1000, 16>}, {transform_indices = @transform_7, window_bounds = array<i64: 1000, 128>}, {transform_indices = @transform_8, window_bounds = array<i64: 1000, 128>}]} {
    %get3A = arith.constant 0 : index
    %get3A_0 = arith.constant 0 : index
    %get3A_1 = arith.constant 0 : index
    %get3A_2 = vector.load %arg3[%get3A, %get3A_0, %get3A_1] : memref<2x1000x16xf32, #tpu.memory_space<vmem>>, vector<1x1000x1xf32>
    %get3A_3 = vector.shape_cast %get3A_2 : vector<1x1000x1xf32> to vector<1000x1xf32>
    %get3A_4 = arith.constant 1 : index
    %get3A_5 = arith.constant 0 : index
    %get3A_6 = arith.constant 0 : index
    %get3A_7 = vector.load %arg3[%get3A_4, %get3A_5, %get3A_6] : memref<2x1000x16xf32, #tpu.memory_space<vmem>>, vector<1x1000x1xf32>
    %get3A_8 = vector.shape_cast %get3A_7 : vector<1x1000x1xf32> to vector<1000x1xf32>
    %add3A = arith.addf %get3A_3, %get3A_8 : vector<1000x1xf32>
    %add3A_9 = arith.constant 1.000000e+00 : f32
    %add3A_10 = vector.broadcast %add3A_9 : f32 to vector<1000x1xf32>
    %add3A_11 = arith.addf %add3A, %add3A_10 : vector<1000x1xf32>
    %get3A_12 = arith.constant 0 : index
    %get3A_13 = arith.constant 0 : index
    %get3A_14 = arith.constant 0 : index
    %get3A_15 = vector.load %arg1[%get3A_12, %get3A_13, %get3A_14] : memref<2x1000x128xf32, #tpu.memory_space<vmem>>, vector<1x1000x128xf32>
    %get3A_16 = vector.shape_cast %get3A_15 : vector<1x1000x128xf32> to vector<1000x128xf32>
    %get3A_17 = arith.constant 1 : index
    %get3A_18 = arith.constant 0 : index
    %get3A_19 = arith.constant 0 : index
    %get3A_20 = vector.load %arg1[%get3A_17, %get3A_18, %get3A_19] : memref<2x1000x128xf32, #tpu.memory_space<vmem>>, vector<1x1000x128xf32>
    %get3A_21 = vector.shape_cast %get3A_20 : vector<1x1000x128xf32> to vector<1000x128xf32>
    %add3A_22 = arith.addf %get3A_16, %get3A_21 : vector<1000x128xf32>
    %get3A_23 = arith.constant 0 : index
    %get3A_24 = arith.constant 0 : index
    %get3A_25 = vector.load %arg2[%get3A_23, %get3A_24] : memref<1000x128xf32, #tpu.memory_space<vmem>>, vector<1000x128xf32>
    %add3A_26 = arith.addf %add3A_22, %get3A_25 : vector<1000x128xf32>
    %rsqrt3A = math.rsqrt %add3A_11 : vector<1000x1xf32>
    %mul3A = vector.broadcast %rsqrt3A : vector<1000x1xf32> to vector<1000x128xf32>
    %mul3A_27 = arith.mulf %add3A_26, %mul3A : vector<1000x128xf32>
    %get3A_28 = arith.constant 0 : index
    %get3A_29 = arith.constant 0 : index
    %get3A_30 = vector.load %arg4[%get3A_28, %get3A_29] : memref<128x128xf32, #tpu.memory_space<vmem>>, vector<128x128xf32>
    %dot_general3A = arith.constant dense<0.000000e+00> : vector<1000x128xf32>
    %dot_general3A_31 = tpu.matmul %mul3A_27, %get3A_30, %dot_general3A {dimension_numbers = #tpu.dot_dimension_numbers<[1], [0], [0], [1], [0, 0, 1, 1], [], []>, transpose_lhs_hint = false} : vector<1000x128xf32>, vector<128x128xf32>, vector<1000x128xf32> -> vector<1000x128xf32>
    %get3A_32 = arith.constant 0 : index
    %get3A_33 = arith.constant 0 : index
    %get3A_34 = vector.load %arg5[%get3A_32, %get3A_33] : memref<1x128xf32, #tpu.memory_space<vmem>>, vector<1x128xf32>
    %add3A_35 = vector.broadcast %get3A_34 : vector<1x128xf32> to vector<1000x128xf32>
    %add3A_36 = arith.addf %dot_general3A_31, %add3A_35 : vector<1000x128xf32>
    %max3A = arith.constant 0.000000e+00 : f32
    %max3A_37 = vector.broadcast %max3A : f32 to vector<1000x128xf32>
    %max3A_38 = arith.maximumf %add3A_36, %max3A_37 : vector<1000x128xf32>
    %get3A_39 = arith.constant 0 : index
    %get3A_40 = arith.constant 0 : index
    %get3A_41 = vector.load %arg6[%get3A_39, %get3A_40] : memref<1000x128xf32, #tpu.memory_space<vmem>>, vector<1000x128xf32>
    %add3A_42 = arith.addf %max3A_38, %get3A_41 : vector<1000x128xf32>
    %get3A_43 = arith.constant 0 : index
    %get3A_44 = arith.constant 0 : index
    %get3A_45 = arith.constant 0 : index
    %get3A_46 = vector.load %arg7[%get3A_43, %get3A_44, %get3A_45] : memref<2x1000x16xf32, #tpu.memory_space<vmem>>, vector<1x1000x1xf32>
    %get3A_47 = vector.shape_cast %get3A_46 : vector<1x1000x1xf32> to vector<1000x1xf32>
    %get3A_48 = arith.constant 1 : index
    %get3A_49 = arith.constant 0 : index
    %get3A_50 = arith.constant 0 : index
    %get3A_51 = vector.load %arg7[%get3A_48, %get3A_49, %get3A_50] : memref<2x1000x16xf32, #tpu.memory_space<vmem>>, vector<1x1000x1xf32>
    %get3A_52 = vector.shape_cast %get3A_51 : vector<1x1000x1xf32> to vector<1000x1xf32>
    %add3A_53 = arith.addf %get3A_47, %get3A_52 : vector<1000x1xf32>
    %add3A_54 = arith.constant 1.000000e+00 : f32
    %add3A_55 = vector.broadcast %add3A_54 : f32 to vector<1000x1xf32>
    %add3A_56 = arith.addf %add3A_53, %add3A_55 : vector<1000x1xf32>
    %swap3A = arith.constant 0 : index
    %swap3A_57 = arith.constant 0 : index
    %swap3A_58 = vector.load %arg8[%swap3A, %swap3A_57] : memref<1000x128xf32, #tpu.memory_space<vmem>>, vector<1000x128xf32>
    tpu.vector_store %arg8[%swap3A, %swap3A_57], %add3A_42 {strides = array<i32>} : memref<1000x128xf32, #tpu.memory_space<vmem>>, vector<1000x128xf32>,
    %rsqrt3A_59 = math.rsqrt %add3A_56 : vector<1000x1xf32>
    %mul3A_60 = vector.broadcast %rsqrt3A_59 : vector<1000x1xf32> to vector<1000x128xf32>
    %mul3A_61 = arith.mulf %add3A_42, %mul3A_60 : vector<1000x128xf32>
    %swap3A_62 = arith.constant 0 : index
    %swap3A_63 = arith.constant 0 : index
    %swap3A_64 = vector.load %arg9[%swap3A_62, %swap3A_63] : memref<1000x128xf32, #tpu.memory_space<vmem>>, vector<1000x128xf32>
    tpu.vector_store %arg9[%swap3A_62, %swap3A_63], %mul3A_61 {strides = array<i32>} : memref<1000x128xf32, #tpu.memory_space<vmem>>, vector<1000x128xf32>,
    return
  }
  func.func @transform_0(%arg0: i32) -> (i32, i32, i32) {
    %c0_i32 = arith.constant 0 : i32
    %c0_i32_0 = arith.constant 0 : i32
    %c0_i32_1 = arith.constant 0 : i32
    return %c0_i32, %arg0, %c0_i32_0 : i32, i32, i32
  }
  func.func @transform_1(%arg0: i32) -> (i32, i32) {
    %c0_i32 = arith.constant 0 : i32
    %c0_i32_0 = arith.constant 0 : i32
    return %arg0, %c0_i32 : i32, i32
  }
  func.func @transform_2(%arg0: i32) -> (i32, i32, i32) {
    %c0_i32 = arith.constant 0 : i32
    %c0_i32_0 = arith.constant 0 : i32
    %c0_i32_1 = arith.constant 0 : i32
    return %c0_i32, %arg0, %c0_i32_0 : i32, i32, i32
  }
  func.func @transform_3(%arg0: i32) -> (i32, i32) {
    %c0_i32 = arith.constant 0 : i32
    %c0_i32_0 = arith.constant 0 : i32
    %c0_i32_1 = arith.constant 0 : i32
    return %c0_i32, %c0_i32_0 : i32, i32
  }
  func.func @transform_4(%arg0: i32) -> (i32, i32) {
    %c0_i32 = arith.constant 0 : i32
    %c0_i32_0 = arith.constant 0 : i32
    %c0_i32_1 = arith.constant 0 : i32
    return %c0_i32, %c0_i32_0 : i32, i32
  }
  func.func @transform_5(%arg0: i32) -> (i32, i32) {
    %c0_i32 = arith.constant 0 : i32
    %c0_i32_0 = arith.constant 0 : i32
    return %arg0, %c0_i32 : i32, i32
  }
  func.func @transform_6(%arg0: i32) -> (i32, i32, i32) {
    %c0_i32 = arith.constant 0 : i32
    %c0_i32_0 = arith.constant 0 : i32
    %c0_i32_1 = arith.constant 0 : i32
    return %c0_i32, %arg0, %c0_i32_0 : i32, i32, i32
  }
  func.func @transform_7(%arg0: i32) -> (i32, i32) {
    %c0_i32 = arith.constant 0 : i32
    %c0_i32_0 = arith.constant 0 : i32
    return %arg0, %c0_i32 : i32, i32
  }
  func.func @transform_8(%arg0: i32) -> (i32, i32) {
    %c0_i32 = arith.constant 0 : i32
    %c0_i32_0 = arith.constant 0 : i32
    return %arg0, %c0_i32 : i32, i32
  }
}

module attributes {stable_mosaic.version = 14 : i64} {
  func.func @_tc_hop_body(%arg0: i32, %arg1: memref<2x1000x128xf32, #tpu.memory_space<vmem>>, %arg2: memref<1000x128xf32, #tpu.memory_space<vmem>>, %arg3: memref<2x1000x16xf32, #tpu.memory_space<vmem>>, %arg4: memref<128x128xf32, #tpu.memory_space<vmem>>, %arg5: memref<1x128xf32, #tpu.memory_space<vmem>>, %arg6: memref<1000x128xf32, #tpu.memory_space<vmem>>, %arg7: memref<2x1000x16xf32, #tpu.memory_space<vmem>>, %arg8: memref<1000x128xf32, #tpu.memory_space<vmem>>, %arg9: memref<1000x128xf32, #tpu.memory_space<vmem>>) attributes {dimension_semantics = [#tpu.dimension_semantics<arbitrary>], iteration_bounds = array<i64: 10>, scalar_prefetch = 0 : i64, scratch_operands = 0 : i64, tpu.core_type = #tpu.core_type<tc>, window_params = [{transform_indices = @transform_0, window_bounds = array<i64: 2, 1000, 128>}, {transform_indices = @transform_1, window_bounds = array<i64: 1000, 128>}, {transform_indices = @transform_2, window_bounds = array<i64: 2, 1000, 16>}, {pipeline_mode = #tpu.pipeline_mode<synchronous>, transform_indices = @transform_3, window_bounds = array<i64: 128, 128>}, {pipeline_mode = #tpu.pipeline_mode<synchronous>, transform_indices = @transform_4, window_bounds = array<i64: 1, 128>}, {transform_indices = @transform_5, window_bounds = array<i64: 1000, 128>}, {transform_indices = @transform_6, window_bounds = array<i64: 2, 1000, 16>}, {transform_indices = @transform_7, window_bounds = array<i64: 1000, 128>}, {transform_indices = @transform_8, window_bounds = array<i64: 1000, 128>}]} {
    %get3A = arith.constant 0 : index
    %get3A_0 = arith.constant 0 : index
    %get3A_1 = arith.constant 0 : index
    %get3A_2 = vector.load %arg3[%get3A, %get3A_0, %get3A_1] : memref<2x1000x16xf32, #tpu.memory_space<vmem>>, vector<1x1000x1xf32>
    %get3A_3 = vector.shape_cast %get3A_2 : vector<1x1000x1xf32> to vector<1000x1xf32>
    %get3A_4 = arith.constant 1 : index
    %get3A_5 = arith.constant 0 : index
    %get3A_6 = arith.constant 0 : index
    %get3A_7 = vector.load %arg3[%get3A_4, %get3A_5, %get3A_6] : memref<2x1000x16xf32, #tpu.memory_space<vmem>>, vector<1x1000x1xf32>
    %get3A_8 = vector.shape_cast %get3A_7 : vector<1x1000x1xf32> to vector<1000x1xf32>
    %add3A = arith.addf %get3A_3, %get3A_8 : vector<1000x1xf32>
    %add3A_9 = arith.constant 1.000000e+00 : f32
    %add3A_10 = vector.broadcast %add3A_9 : f32 to vector<1000x1xf32>
    %add3A_11 = arith.addf %add3A, %add3A_10 : vector<1000x1xf32>
    %get3A_12 = arith.constant 0 : index
    %get3A_13 = arith.constant 0 : index
    %get3A_14 = arith.constant 0 : index
    %get3A_15 = vector.load %arg1[%get3A_12, %get3A_13, %get3A_14] : memref<2x1000x128xf32, #tpu.memory_space<vmem>>, vector<1x1000x128xf32>
    %get3A_16 = vector.shape_cast %get3A_15 : vector<1x1000x128xf32> to vector<1000x128xf32>
    %get3A_17 = arith.constant 1 : index
    %get3A_18 = arith.constant 0 : index
    %get3A_19 = arith.constant 0 : index
    %get3A_20 = vector.load %arg1[%get3A_17, %get3A_18, %get3A_19] : memref<2x1000x128xf32, #tpu.memory_space<vmem>>, vector<1x1000x128xf32>
    %get3A_21 = vector.shape_cast %get3A_20 : vector<1x1000x128xf32> to vector<1000x128xf32>
    %add3A_22 = arith.addf %get3A_16, %get3A_21 : vector<1000x128xf32>
    %get3A_23 = arith.constant 0 : index
    %get3A_24 = arith.constant 0 : index
    %get3A_25 = vector.load %arg2[%get3A_23, %get3A_24] : memref<1000x128xf32, #tpu.memory_space<vmem>>, vector<1000x128xf32>
    %add3A_26 = arith.addf %add3A_22, %get3A_25 : vector<1000x128xf32>
    %rsqrt3A = math.rsqrt %add3A_11 : vector<1000x1xf32>
    %mul3A = vector.broadcast %rsqrt3A : vector<1000x1xf32> to vector<1000x128xf32>
    %mul3A_27 = arith.mulf %add3A_26, %mul3A : vector<1000x128xf32>
    %get3A_28 = arith.constant 0 : index
    %get3A_29 = arith.constant 0 : index
    %get3A_30 = vector.load %arg4[%get3A_28, %get3A_29] : memref<128x128xf32, #tpu.memory_space<vmem>>, vector<128x128xf32>
    %dot_general3A = arith.constant dense<0.000000e+00> : vector<1000x128xf32>
    %dot_general3A_31 = tpu.matmul %mul3A_27, %get3A_30, %dot_general3A {dimension_numbers = #tpu.dot_dimension_numbers<[1], [0], [0], [1], [0, 0, 1, 1], [], []>, transpose_lhs_hint = false} : vector<1000x128xf32>, vector<128x128xf32>, vector<1000x128xf32> -> vector<1000x128xf32>
    %get3A_32 = arith.constant 0 : index
    %get3A_33 = arith.constant 0 : index
    %get3A_34 = vector.load %arg5[%get3A_32, %get3A_33] : memref<1x128xf32, #tpu.memory_space<vmem>>, vector<1x128xf32>
    %add3A_35 = vector.broadcast %get3A_34 : vector<1x128xf32> to vector<1000x128xf32>
    %add3A_36 = arith.addf %dot_general3A_31, %add3A_35 : vector<1000x128xf32>
    %max3A = arith.constant 0.000000e+00 : f32
    %max3A_37 = vector.broadcast %max3A : f32 to vector<1000x128xf32>
    %max3A_38 = arith.maximumf %add3A_36, %max3A_37 : vector<1000x128xf32>
    %get3A_39 = arith.constant 0 : index
    %get3A_40 = arith.constant 0 : index
    %get3A_41 = vector.load %arg6[%get3A_39, %get3A_40] : memref<1000x128xf32, #tpu.memory_space<vmem>>, vector<1000x128xf32>
    %add3A_42 = arith.addf %max3A_38, %get3A_41 : vector<1000x128xf32>
    %get3A_43 = arith.constant 0 : index
    %get3A_44 = arith.constant 0 : index
    %get3A_45 = arith.constant 0 : index
    %get3A_46 = vector.load %arg7[%get3A_43, %get3A_44, %get3A_45] : memref<2x1000x16xf32, #tpu.memory_space<vmem>>, vector<1x1000x1xf32>
    %get3A_47 = vector.shape_cast %get3A_46 : vector<1x1000x1xf32> to vector<1000x1xf32>
    %get3A_48 = arith.constant 1 : index
    %get3A_49 = arith.constant 0 : index
    %get3A_50 = arith.constant 0 : index
    %get3A_51 = vector.load %arg7[%get3A_48, %get3A_49, %get3A_50] : memref<2x1000x16xf32, #tpu.memory_space<vmem>>, vector<1x1000x1xf32>
    %get3A_52 = vector.shape_cast %get3A_51 : vector<1x1000x1xf32> to vector<1000x1xf32>
    %add3A_53 = arith.addf %get3A_47, %get3A_52 : vector<1000x1xf32>
    %add3A_54 = arith.constant 1.000000e+00 : f32
    %add3A_55 = vector.broadcast %add3A_54 : f32 to vector<1000x1xf32>
    %add3A_56 = arith.addf %add3A_53, %add3A_55 : vector<1000x1xf32>
    %swap3A = arith.constant 0 : index
    %swap3A_57 = arith.constant 0 : index
    %swap3A_58 = vector.load %arg8[%swap3A, %swap3A_57] : memref<1000x128xf32, #tpu.memory_space<vmem>>, vector<1000x128xf32>
    tpu.vector_store %arg8[%swap3A, %swap3A_57], %add3A_42 {strides = array<i32>} : memref<1000x128xf32, #tpu.memory_space<vmem>>, vector<1000x128xf32>,
    %rsqrt3A_59 = math.rsqrt %add3A_56 : vector<1000x1xf32>
    %mul3A_60 = vector.broadcast %rsqrt3A_59 : vector<1000x1xf32> to vector<1000x128xf32>
    %mul3A_61 = arith.mulf %add3A_42, %mul3A_60 : vector<1000x128xf32>
    %swap3A_62 = arith.constant 0 : index
    %swap3A_63 = arith.constant 0 : index
    %swap3A_64 = vector.load %arg9[%swap3A_62, %swap3A_63] : memref<1000x128xf32, #tpu.memory_space<vmem>>, vector<1000x128xf32>
    tpu.vector_store %arg9[%swap3A_62, %swap3A_63], %mul3A_61 {strides = array<i32>} : memref<1000x128xf32, #tpu.memory_space<vmem>>, vector<1000x128xf32>,
    return
  }
  func.func @transform_0(%arg0: i32) -> (i32, i32, i32) {
    %c0_i32 = arith.constant 0 : i32
    %c0_i32_0 = arith.constant 0 : i32
    %c0_i32_1 = arith.constant 0 : i32
    return %c0_i32, %arg0, %c0_i32_0 : i32, i32, i32
  }
  func.func @transform_1(%arg0: i32) -> (i32, i32) {
    %c0_i32 = arith.constant 0 : i32
    %c0_i32_0 = arith.constant 0 : i32
    return %arg0, %c0_i32 : i32, i32
  }
  func.func @transform_2(%arg0: i32) -> (i32, i32, i32) {
    %c0_i32 = arith.constant 0 : i32
    %c0_i32_0 = arith.constant 0 : i32
    %c0_i32_1 = arith.constant 0 : i32
    return %c0_i32, %arg0, %c0_i32_0 : i32, i32, i32
  }
  func.func @transform_3(%arg0: i32) -> (i32, i32) {
    %c0_i32 = arith.constant 0 : i32
    %c0_i32_0 = arith.constant 0 : i32
    %c0_i32_1 = arith.constant 0 : i32
    return %c0_i32, %c0_i32_0 : i32, i32
  }
  func.func @transform_4(%arg0: i32) -> (i32, i32) {
    %c0_i32 = arith.constant 0 : i32
    %c0_i32_0 = arith.constant 0 : i32
    %c0_i32_1 = arith.constant 0 : i32
    return %c0_i32, %c0_i32_0 : i32, i32
  }
  func.func @transform_5(%arg0: i32) -> (i32, i32) {
    %c0_i32 = arith.constant 0 : i32
    %c0_i32_0 = arith.constant 0 : i32
    return %arg0, %c0_i32 : i32, i32
  }
  func.func @transform_6(%arg0: i32) -> (i32, i32, i32) {
    %c0_i32 = arith.constant 0 : i32
    %c0_i32_0 = arith.constant 0 : i32
    %c0_i32_1 = arith.constant 0 : i32
    return %c0_i32, %arg0, %c0_i32_0 : i32, i32, i32
  }
  func.func @transform_7(%arg0: i32) -> (i32, i32) {
    %c0_i32 = arith.constant 0 : i32
    %c0_i32_0 = arith.constant 0 : i32
    return %arg0, %c0_i32 : i32, i32
  }
  func.func @transform_8(%arg0: i32) -> (i32, i32) {
    %c0_i32 = arith.constant 0 : i32
    %c0_i32_0 = arith.constant 0 : i32
    return %arg0, %c0_i32 : i32, i32
  }
}

</mosaic_0001>

<sc_bundles>
// kernel: kernel.10.cloned.1.call-start
scs
__scs_entry_jumppad:
0x0: {  	(pc) =	sbr.rel $0x88, $3  }
0x1: {  	(tag) =	ssettag $0x0;
	lr =	simm.s32 $0x1  }
0x2: {  	[smem:$0x3F95] =	sst lr;
	_ =	strace $0xD0000000  }
0x3: {  	_ = 	snop  }
0x4: {  	_ = 	snop  }
0x5: {  	_ = 	snop  }
0x6: {  	_ = 	snop  }
0x7: {  	_ = 	snop  }
__scs_overlays_trampoline_lowered:
0x8: {  	[smem:$0x3FA4] =	sst s0  }
0x9: {  	[smem:$0x3FA5] =	sst s1  }
0xa: {  	[smem:$0x3FA6] =	sst s2  }
0xb: {  	[smem:$0x3FA7] =	sst s3  }
0xc: {  	[smem:$0x3FA8] =	sst s4  }
0xd: {  	[smem:$0x3FA9] =	sst s5  }
0xe: {  	[smem:$0x3FAA] =	sst s6  }
0xf: {  	[smem:$0x3FAB] =	sst s7  }
0x10: {  	[smem:$0x3FAC] =	sst s8  }
0x11: {  	[smem:$0x3FAD] =	sst s9;
	s0 =	simm.s32 @!p0 $0x0  }
0x12: {  	s1 =	sld [smem:$0x3F93];
	s0 =	simm.s32 @p0 $0x1  }
0x13: {  	[smem:$0x3FAE] =	sst s0;
	s0 =	simm.s32 @!p1 $0x0  }
0x14: {  	s2 =	sld [smem:$0x3F92];
	s0 =	simm.s32 @p1 $0x1  }
0x15: {  	[smem:$0x3FAF] =	sst s0;
	s0 =	simm.s32 @!p2 $0x0  }
0x16: {  	s3 =	sld [smem:$0x3FDB];
	s0 =	simm.s32 @p2 $0x1  }
0x17: {  	s4 =	simm.s32 $0x1BF5;
	[smem:$0x3FB1] =	sst s0  }
0x18: {  	s0 =	sld [smem:$0x3F94];
	_ =	swait.ge [sflag:s4], $0x0  }
0x19: {  	s7 =	sld [smem:$0x3F95]  }
0x1a: {  	s8 =	sadd.s32 $0xFFFFE003, lr  }
0x1b: {  	s9 =	sadd.s32 $0xFFFFFEF7, lr;
	s5 =	simm.s32 $0xFFFFFFFF;
	p2 =	slt.u32 s8, $0xFFFFF086  }
0x1c: {  	p1 =	slt.u32 s9, $0xF7A;
	s5 =	simm.s32 @!p2 $0x0  }
0x1d: {  	s5 =	simm.s32 @p1 $0x1;
	p0 =	seq.s32 s7, s2  }
0x1e: {  	s7 =	smul.u32 @!p0 $0xF7A, s2;
	p2 =	seq.s32 @!p0 s5, $0x0  }
0x1f: {  	s9 =	smul.u32 $0xF7A, s1;
	s8 =	simm.s32 @!p0 $0x1BF5;
	p2 =	por !p2, p0  }
0x20: {  	[sflag:s8] =	ssyncset.s32 @!p0 $0xFFFFF086;
	s6 =	sadd.s32 @!p0 s3, s7;
	s7 =	simm.s32 @!p0 $0x108  }
0x21: {  	s3 =	sadd.s32 s3, s9;
	s6 =	sadd.s32 @!p0 $0x88, s6;
	s7 =	simm.s32 @p2 $0x1082  }
0x22: {  	[simem:s7], [sflag:s8] =	dma.local @!p0 [hbm:s6], $0xF7A  }
0x23: {  	s9 =	sor.u32 $0xD0000000, s2;
	s6 =	simm.s32 $0x108;
	_ =	swait.ge @!p0 [sflag:s8], $0x0  }
0x24: {  	s3 =	sadd.s32 $0x88, s3;
	s6 =	simm.s32 @!p1 $0x1082;
	[sflag:s4] =	ssyncset.s32 $0xFFFFF086  }
0x25: {  	[simem:s6], [sflag:s4] =	dma.local [hbm:s3], $0xF7A  }
0x26: {  	[smem:$0x3F95] =	sst s1;
	(tag) =	ssettag s2;
	_ =	strace s9  }
0x27: {  	s1 =	sld [smem:$0x3FA5]  }
0x28: {  	s2 =	sld [smem:$0x3FA6]  }
0x29: {  	s4 =	sld [smem:$0x3FA8]  }
0x2a: {  	p0 =	seq.s32 s5, $0x0;
	s5 =	sld [smem:$0x3FA9]  }
0x2b: {  	s6 =	sld [smem:$0x3FAA]  }
0x2c: {  	s7 =	sld [smem:$0x3FAB]  }
0x2d: {  	s3 =	simm.s32 $0x108;
	s8 =	sld [smem:$0x3FAC]  }
0x2e: {  	s3 =	simm.s32 @!p0 $0x1082;
	s9 =	sld [smem:$0x3FAD]  }
0x2f: {  	lr =	sadd.s32 s0, s3;
	s0 =	sld [smem:$0x3FA4]  }
0x30: {  	s3 =	sld [smem:$0x3FA7]  }
0x31: {  	[smem:$0x3FB0] =	sst s10  }
0x32: {  	s10 =	sld [smem:$0x3FAE];
	_ =	sdelay $0x3  }
0x33: {  	p0 =	seq.s32 s10, $0x1;
	s10 =	sld [smem:$0x3FB0];
	_ =	sdelay $0x3  }
0x34: {  	[smem:$0x3FB0] =	sst s10  }
0x35: {  	s10 =	sld [smem:$0x3FAF];
	_ =	sdelay $0x3  }
0x36: {  	p1 =	seq.s32 s10, $0x1;
	s10 =	sld [smem:$0x3FB0];
	_ =	sdelay $0x3  }
0x37: {  	[smem:$0x3FB0] =	sst s10  }
0x38: {  	s10 =	sld [smem:$0x3FB1]  }
0x39: {  	_ = 	snop;
	(pc) =	sbr.ind lr, $3  }
0x3a: {  	_ = 	snop  }
0x3b: {  	_ = 	snop  }
0x3c: {  	p2 =	seq.s32 s10, $0x1;
	s10 =	sld [smem:$0x3FB0]  }
0x3d: {  	_ =	shalt  }
0x3e: {  	_ =	shalt  }
0x3f: {  	_ =	shalt  }
0x40: {  	_ =	shalt  }
0x41: {  	_ =	shalt  }
0x42: {  	_ =	shalt  }
0x43: {  	_ =	shalt  }
0x44: {  	_ =	shalt  }
0x45: {  	_ =	shalt  }
0x46: {  	_ =	shalt  }
0x47: {  	_ =	shalt  }
0x48: {  	_ =	shalt  }
0x49: {  	_ =	shalt  }
0x4a: {  	_ =	shalt  }
0x4b: {  	_ =	shalt  }
0x4c: {  	_ =	shalt  }
0x4d: {  	_ =	shalt  }
0x4e: {  	_ =	shalt  }
0x4f: {  	_ =	shalt  }
0x50: {  	_ =	shalt  }
0x51: {  	_ =	shalt  }
0x52: {  	_ =	shalt  }
0x53: {  	_ =	shalt  }
0x54: {  	_ =	shalt  }
0x55: {  	_ =	shalt  }
0x56: {  	_ =	shalt  }
0x57: {  	_ =	shalt  }
0x58: {  	_ =	shalt  }
0x59: {  	_ =	shalt  }
0x5a: {  	_ =	shalt  }
0x5b: {  	_ =	shalt  }
0x5c: {  	_ =	shalt  }
0x5d: {  	_ =	shalt  }
0x5e: {  	_ =	shalt  }
0x5f: {  	_ =	shalt  }
0x60: {  	_ =	shalt  }
0x61: {  	_ =	shalt  }
0x62: {  	_ =	shalt  }
0x63: {  	_ =	shalt  }
0x64: {  	_ =	shalt  }
0x65: {  	_ =	shalt  }
0x66: {  	_ =	shalt  }
0x67: {  	_ =	shalt  }
0x68: {  	_ =	shalt  }
0x69: {  	_ =	shalt  }
0x6a: {  	_ =	shalt  }
0x6b: {  	_ =	shalt  }
0x6c: {  	_ =	shalt  }
0x6d: {  	_ =	shalt  }
0x6e: {  	_ =	shalt  }
0x6f: {  	_ =	shalt  }
0x70: {  	_ =	shalt  }
0x71: {  	_ =	shalt  }
0x72: {  	_ =	shalt  }
0x73: {  	_ =	shalt  }
0x74: {  	_ =	shalt  }
0x75: {  	_ =	shalt  }
0x76: {  	_ =	shalt  }
0x77: {  	_ =	shalt  }
0x78: {  	_ =	shalt  }
0x79: {  	_ =	shalt  }
0x7a: {  	_ =	shalt  }
0x7b: {  	_ =	shalt  }
0x7c: {  	_ =	shalt  }
0x7d: {  	_ =	shalt  }
0x7e: {  	_ =	shalt  }
0x7f: {  	_ =	shalt  }
0x80: {  	_ =	shalt  }
0x81: {  	_ =	shalt  }
0x82: {  	_ =	shalt  }
0x83: {  	_ =	shalt  }
0x84: {  	_ =	shalt  }
0x85: {  	_ =	shalt  }
0x86: {  	_ =	shalt  }
0x87: {  	_ =	shalt  }
.Lfunc_end0:
.L_simem_size_0:
called_computation_lowered:
.L_overlay_start_0:
0x88: {  	s2 =	sld [smem:$0x3FD9]  }
0x89: {  	s3 =	sld [smem:$0x3FFE];
	_ =	sdelay $0x1  }
0x8a: {  	s1 =	srdreg.scid  }
0x8b: {  	s0 =	sand.u32 $0x1, s1  }
0x8c: {  	s17 =	sshll.u32 s0, $0xA;
	s2 =	sadd.s32 s3, s2  }
0x8d: {  	s2 =	sadd.s32 s2, s17  }
0x8e: {  	[smem:$0x3FBC] =	sst s2  }
0x8f: {  	_ = 	snop  }
0x90: {  	s2 =	sld [smem:$0x3FD0];
	(tm) =	ssettm $0x1  }
0x91: {  	s18 =	sld [smem:$0x3FFB];
	_ =	sdelay $0x3  }
0x92: {  	_ =	strace s18  }
0x93: {  	s3 =	sld [smem:$0x3FFC];
	_ =	sdelay $0x3  }
0x94: {  	_ =	strace s3  }
0x95: {  	s3 =	sld [smem:$0x3FFD];
	_ =	sdelay $0x3  }
0x96: {  	_ =	strace s3  }
0x97: {  	_ =	strace $0x8FFFFFFF  }
0x98: {  	s19 =	sld [smem:$0x3FDB];
	_ =	sdelay $0x1  }
0x99: {  	s4 =	simm.s32 $_scs_section_size  }
0x9a: {  	s5 =	simm.s32 $_size__tile_overlayer_lowered;
	s6 =	simm.s32 $_tile_overlayer_lowered  }
0x9b: {  	s22 =	simm.s32 $0x1BFF;
	s21 =	sshll.u32 s6, $0x1;
	s3 =	sadd.s32 s4, s19  }
0x9c: {  	s7 =	simm.s32 $0x0;
	s20 =	sshll.u32 s5, $0x1;
	s5 =	sadd.s32 s21, s3  }
0x9d: {  	[timem:s7], [sflag:s22] =	dma.local [hbm:s5], s20  }
0x9e: {  	_ =	swait.ge [sflag:s22], s20  }
0x9f: {  	s4 =	ssub.s32 $0x0, s20;
	[sflag:s22] =	ssyncset.done $0x0  }
0xa0: {  	[sflag:s22] =	ssyncadd.s32 s4;
	_ =	sdelay $0x1  }
0xa1: {  	s23 =	simm.s32 $0x1B8B  }
0xa2: {  	_ =	swait.ge [sflag:s23], $0x1  }
0xa3: {  	[sflag:s23] =	ssyncset.done $0x0  }
0xa4: {  	s25 =	simm.s32 $0x1B8E;
	s24 =	sld [smem:$0x3FFE];
	[sflag:s23] =	ssyncadd.s32 $0xFFFFFFFF  }
0xa5: {  	s26 =	simm.s32 $execute0_lowered;
	[smem:$0x3FD2] =	sst s25  }
0xa6: {  	s5 =	sshll.u32 s26, $0x1;
	_ =	strace $0x80000046;
	[dreg:$0x1] =	wrdreg $0xFFFFFFFF  }
0xa7: {  	s28 =	simm.s32 $_size_execute0_lowered;
	s3 =	sadd.s32 s3, s5;
	[dreg:$0x0] =	wrdreg $0x0  }
0xa8: {  	s5 =	sshll.u32 s28, $0x1;
	[dreg:$0x2] =	wrdreg s3  }
0xa9: {  	[dreg:$0x3] =	wrdreg s5  }
0xaa: {  	[dreg:$0x4] =	wrdreg $0xC0  }
0xab: {  	_ =	task [dreg:s7], $0x5FFFF  }
0xac: {  	[dreg:$0x1] =	wrdreg $0xFFFFFFFF  }
0xad: {  	[dreg:$0x0] =	wrdreg $0x60  }
0xae: {  	[dreg:$0x2] =	wrdreg s24  }
0xaf: {  	[dreg:$0x3] =	wrdreg s2  }
0xb0: {  	[dreg:$0x4] =	wrdreg $0x29000  }
0xb1: {  	[dreg:$0x5] =	wrdreg $0x51000  }
0xb2: {  	[dreg:$0x6] =	wrdreg $0x9  }
0xb3: {  	_ =	task.clear_ibuf [dreg:s7], $0x7FFFF;
	_ =	strace $0x90000046  }
0xb4: {  	s29 =	simm.s32 $0x9;
	_ =	strace $0x80000048  }
0xb5: {  	_ =	swait.ge [sflag:s29], $0x1  }
0xb6: {  	[sflag:s29] =	ssyncadd.s32 $0xFFFFFFFF  }
0xb7: {  	_ =	strace $0x90000048  }
0xb8: {  	_ =	sfence  }
0xb9: {  	s30 =	sld [smem:$0x0];
	_ =	sdelay $0x2  }
0xba: {  	s31 =	sshll.u32 s1, $0xD;
	s1 =	sshrl.u32 s1, $0x2  }
0xbb: {  	s3 =	sand.u32 $0x4000, s31;
	s1 =	sadd.s32 s1, s30  }
0xbc: {  	s0 =	sor.u32 s3, s0;
	s1 =	sshll.u32 s1, $0x11  }
0xbd: {  	s0 =	sor.u32 s1, s0  }
0xbe: {  	s0 =	sadd.s32 $0x8F2B, s0  }
0xbf: {  	[sflag:s0] =	ssyncadd.remote.s32 $0x1  }
0xc0: {  	_ =	sfence.sel $0xFFFF  }
0xc1: {  	[dreg:$0x0] =	wrdreg $0xFFFFFFFF;
	(pc) =	sbr.abs _section_cstart, $3  }
0xc2: {  	[dreg:$0x1] =	wrdreg $0xFFFFFFFF  }
0xc3: {  	_ =	task.clear_ibuf [dreg:s7], $0x2FFFF;
	_ =	strace $0x9FFFFFFF  }
0xc4: {  	(tm) =	ssettm $0x7FFFFFFF  }
0xc5: {  	_ =	shalt  }
tec
execute0_lowered:
.L_overlay_start_1:
0x0: {  	(tag) =	ssettag $0x1  }
0x1: {  	s6 =	rddreg [dreg:$0x0]  }
0x2: {  	s1 =	rddreg [dreg:$0x1]  }
0x3: {  	s2 =	srdreg.scid;
	s3 =	rddreg [dreg:$0x2]  }
0x4: {  	s0 =	stileid.u32;
	s4 =	rddreg [dreg:$0x3];
	s5 =	simm.s32 $0x0  }
0x5: {  	s13 =	simm.s32 $0x1;
	s17 =	simm.s32 $0x80;
	s8 =	smul.u32 $0x4E20, s0  }
0x6: {  	s18 =	simm.s32 $0x50;
	s7 =	sand.u32 $0x1, s2;
	s10 =	smul.u32 $0x14000, s0  }
0x7: {  	s19 =	simm.s32 $0x0;
	s2 =	rddreg [dreg:$0x4];
	s9 =	smul.u32 $0x2710, s7  }
0x8: {  	[smem:$0x7FF] =	sst s5;
	s14 =	sshll.u32 s0, $0x6;
	s28 =	smul.u32 $0x140000, s7  }
0x9: {  	_ =	strace $0x80000047;
	s7 =	ssub.s32 $0x2, s7;
	s14 =	sor.u32 $0x1C01, s14  }
0xa: {  	s30 =	sshrl.u32 s10, $0x3;
	s31 =	sshrl.u32 s7, $0x1;
	s15 =	sadd.s32 s10, s3  }
0xb: {  	s16 =	sadd.s32 s10, s4;
	s8 =	sadd.s32 s9, s8;
	s29 =	sadd.s32 s10, s28  }
0xc: {  	s9 =	sadd.s32 s30, s6;
	s12 =	ssub.s32 s7, s31;
	s8 =	sshrl.u32 s8, $0x3  }
0xd: {  	s15 =	sshrl.u32 s15, $0x3;
	s11 =	sadd.s32 s8, s6;
	s8 =	sshrl.u32 s29, $0x3  }
0xe: {  	s16 =	sshrl.u32 s16, $0x3;
	s8 =	sadd.s32 s8, s6;
	s6 =	sadd.s32 $0x17800, s9  }
0xf: {  	s9 =	smax.u32 s12, $0x1;
	s10 =	sadd.s32 $0x3C00, s11;
	s11 =	sadd.s32 $0xDA00, s11  }
0x10: {  	s12 =	simm.s32 $0x100;
	s7 =	sadd.s32 $0x3F800, s8;
	s8 =	sadd.s32 $0x8F800, s8  }
.LBB2_1:
0x11: {  	[tilespmem:s12], [sflag:$0x1] =	stream.linear.gather [hbm4b:s1+s5], $0x2800, $0x38;
	[tilespmem:$0x7900] =	vst v63  }
0x12: {  	_ =	swait.ge [sflag:s13], $0x2800  }
0x13: {  	[sflag:s13] =	ssyncset.done $0x0  }
0x14: {  	[sflag:s13] =	ssyncadd.s32 $0xFFFFD800  }
0x15: {  	[spmem:s15], [sflag:s14] =	dma.local [hbm:s6], $0x2800  }
0x16: {  	_ =	swait.ge [sflag:s13], $0x2800  }
0x17: {  	[sflag:s13] =	ssyncset.done $0x0  }
0x18: {  	[sflag:s13] =	ssyncadd.s32 $0xFFFFD800  }
0x19: {  	[spmem:s16], [sflag:s14] =	dma.local [hbm:s6], $0x2800  }
0x1a: {  	_ =	swait.ge [sflag:s13], $0x2800  }
0x1b: {  	[sflag:s13] =	ssyncset.done $0x0  }
0x1c: {  	[sflag:s13] =	ssyncadd.s32 $0xFFFFD800  }
0x1d: {  	s20 =	sadd.s32 $0x0, s11;
	[bflag:$0x0] =	sbarrier.arrive $0xFFFF  }
0x1e: {  	[tilespmem:s5], [sflag:$0x1] =	stream.linear.gather [hbm4b:s20+s5], $0x50, $0x38;
	[tilespmem:$0x7900] =	vst v63  }
0x1f: {  	_ =	swait.ge [sflag:s13], $0x50  }
0x20: {  	[sflag:s13] =	ssyncset.done $0x0  }
0x21: {  	s31 =	sadd.s32 $0x0, s10;
	[sflag:s13] =	ssyncadd.s32 $0xFFFFFFB0  }
0x22: {  	[tilespmem:s17], [sflag:$0x1] =	stream.linear.gather [hbm4b:s31+s5], $0x50, $0x38;
	[tilespmem:$0x7900] =	vst v63  }
0x23: {  	_ =	swait.ge [sflag:s13], $0x50  }
0x24: {  	[sflag:s13] =	ssyncset.done $0x0  }
0x25: {  	[sflag:s13] =	ssyncadd.s32 $0xFFFFFFB0  }
0x26: {  	[spmem:s3] =	stream.indirect.scatter.add.f32 [tilespmem:s12], [sflag:$0x1], $0x10, s5, s18, $0xb8;
	[tilespmem:$0x7900] =	vst v63  }
0x27: {  	_ =	swait.ge [sflag:s13], $0x500  }
0x28: {  	[sflag:s13] =	ssyncset.done $0x0  }
0x29: {  	[sflag:s13] =	ssyncadd.s32 $0xFFFFFB00  }
0x2a: {  	[spmem:s4] =	stream.indirect.scatter.add.f32 [tilespmem:s12], [sflag:$0x1], $0x10, s17, s18, $0xb8;
	[tilespmem:$0x7900] =	vst v63  }
0x2b: {  	_ =	swait.ge [sflag:s13], $0x500  }
0x2c: {  	s21 =	simm.s32 $0x14;
	s20 =	simm.s32 $0xA;
	[sflag:s13] =	ssyncset.done $0x0  }
.LBB2_2:
0x2d: {  	s22 =	sadd.s32 s20, s11  }
0x2e: {  	[sflag:s13] =	ssyncadd.s32 $0xFFFFFB00;
	s23 =	smov.u32 s21;
	s24 =	sadd.s32 $0xA, s21  }
0x2f: {  	[tilespmem:s5], [sflag:$0x1] =	stream.linear.gather [hbm4b:s22+s5], $0x50, $0x38;
	[tilespmem:$0x7900] =	vst v63  }
0x30: {  	p0 =	sne.s32 s21, $0x4D8;
	_ =	swait.ge [sflag:s13], $0x50  }
0x31: {  	[sflag:s13] =	ssyncset.done $0x0  }
0x32: {  	s21 =	sadd.s32 s20, s10;
	s20 =	smov.u32 s23;
	[sflag:s13] =	ssyncadd.s32 $0xFFFFFFB0  }
0x33: {  	[tilespmem:s17], [sflag:$0x1] =	stream.linear.gather [hbm4b:s21+s5], $0x50, $0x38;
	[tilespmem:$0x7900] =	vst v63  }
0x34: {  	_ =	swait.ge [sflag:s13], $0x50  }
0x35: {  	[sflag:s13] =	ssyncset.done $0x0  }
0x36: {  	[sflag:s13] =	ssyncadd.s32 $0xFFFFFFB0  }
0x37: {  	[spmem:s3] =	stream.indirect.scatter.add.f32 [tilespmem:s12], [sflag:$0x1], $0x10, s5, s18, $0xb8;
	[tilespmem:$0x7900] =	vst v63  }
0x38: {  	_ =	swait.ge [sflag:s13], $0x500  }
.Ltmp0:
0x39: {  	[sflag:s13] =	ssyncset.done $0x0;
	(pc) =	sbr.rel @p0 .LBB2_2-.Ltmp0, $4  }
0x3a: {  	[sflag:s13] =	ssyncadd.s32 $0xFFFFFB00  }
0x3b: {  	[spmem:s4] =	stream.indirect.scatter.add.f32 [tilespmem:s12], [sflag:$0x1], $0x10, s17, s18, $0xb8;
	[tilespmem:$0x7900] =	vst v63  }
0x3c: {  	_ =	swait.ge [sflag:s13], $0x500  }
0x3d: {  	s21 =	smov.u32 s24;
	[sflag:s13] =	ssyncset.done $0x0  }
0x3e: {  	s21 =	sadd.s32 s20, s11;
	[sflag:s13] =	ssyncadd.s32 $0xFFFFFB00  }
0x3f: {  	[tilespmem:s5], [sflag:$0x1] =	stream.linear.gather [hbm4b:s21+s5], $0x50, $0x38;
	[tilespmem:$0x7900] =	vst v63  }
0x40: {  	_ =	swait.ge [sflag:s13], $0x50  }
0x41: {  	[sflag:s13] =	ssyncset.done $0x0  }
0x42: {  	s31 =	sadd.s32 s20, s10;
	[sflag:s13] =	ssyncadd.s32 $0xFFFFFFB0  }
0x43: {  	[tilespmem:s17], [sflag:$0x1] =	stream.linear.gather [hbm4b:s31+s5], $0x50, $0x38;
	[tilespmem:$0x7900] =	vst v63  }
0x44: {  	_ =	swait.ge [sflag:s13], $0x50  }
0x45: {  	[sflag:s13] =	ssyncset.done $0x0  }
0x46: {  	[sflag:s13] =	ssyncadd.s32 $0xFFFFFFB0  }
0x47: {  	[spmem:s3] =	stream.indirect.scatter.add.f32 [tilespmem:s12], [sflag:$0x1], $0x10, s5, s18, $0xb8;
	[tilespmem:$0x7900] =	vst v63  }
0x48: {  	_ =	swait.ge [sflag:s13], $0x500  }
0x49: {  	[sflag:s13] =	ssyncset.done $0x0  }
0x4a: {  	[sflag:s13] =	ssyncadd.s32 $0xFFFFFB00  }
0x4b: {  	[spmem:s4] =	stream.indirect.scatter.add.f32 [tilespmem:s12], [sflag:$0x1], $0x10, s17, s18, $0xb8;
	[tilespmem:$0x7900] =	vst v63  }
0x4c: {  	_ =	swait.ge [sflag:s13], $0x500  }
0x4d: {  	[sflag:s13] =	ssyncset.done $0x0  }
0x4e: {  	[sflag:s13] =	ssyncadd.s32 $0xFFFFFB00  }
0x4f: {  	[bflag:$0x0] =	sbarrier.arrive $0xFFFF  }
0x50: {  	[hbm:s7], [sflag:s14] =	dma.local [spmem:s15], $0x2800  }
0x51: {  	s19 =	sadd.s32 $0x1, s19;
	_ =	swait.ge [sflag:s13], $0x2800  }
0x52: {  	p0 =	sne.s32 s19, s9;
	[sflag:s13] =	ssyncset.done $0x0  }
.Ltmp1:
0x53: {  	[sflag:s13] =	ssyncadd.s32 $0xFFFFD800;
	(pc) =	sbr.rel @p0 .LBB2_1-.Ltmp1, $4  }
0x54: {  	[hbm:s8], [sflag:s14] =	dma.local [spmem:s16], $0x2800  }
0x55: {  	_ =	swait.ge [sflag:s13], $0x2800  }
0x56: {  	[sflag:s13] =	ssyncset.done $0x0  }
0x57: {  	[sflag:s13] =	ssyncadd.s32 $0xFFFFD800  }
0x58: {  	_ =	sfence.sel $0x180000  }
0x59: {  	[bflag:$0x0] =	sbarrier.arrive $0xFFFF  }
0x5a: {  	p0 =	sne.s32 s0, $0x0;
	_ =	strace $0x90000047  }
0x5b: {  	s0 =	sadd.s32 @!p0 $0x100000, s2;
	[bflag:$0x2] =	sbarrier.arrive $0xFFFF  }
0x5c: {  	[sflag:s0] =	ssyncadd.tile.s32 @!p0 $0x1;
	_ =	shalt  }
.Lfunc_end2:
_tile_overlayer_lowered:
.L_overlay_start_2:
0x5d: {  	(tag) =	ssettag $0x2  }
0x5e: {  	s0 =	rddreg [dreg:$0x0];
	s2 =	stileid.u32  }
0x5f: {  	s1 =	rddreg [dreg:$0x1];
	p0 =	sne.s32 s2, $0x0  }
0x60: {  	s3 =	rddreg [dreg:$0x2];
	[bflag:$0x3] =	sbarrier.arrive $0xFFFF;
	s2 =	simm.s32 @!p0 $0x1C01  }
0x61: {  	[timem:s3], [sflag:s2] =	dma.local @!p0 [hbm:s0], s1  }
0x62: {  	s0 =	simm.s32 @!p0 $0x1  }
0x63: {  	_ =	swait.ge @!p0 [sflag:s0], s1  }
0x64: {  	s1 =	ssub.s32 @!p0 $0x0, s1;
	[sflag:s0] =	ssyncset.done @!p0 $0x0  }
0x65: {  	[sflag:s0] =	ssyncadd.s32 @!p0 s1  }
0x66: {  	[bflag:$0x3] =	sbarrier.arrive $0xFFFF  }
0x67: {  	_ =	shalt  }

// kernel: kernel.13.cloned.1.call-start
scs
__scs_entry_jumppad:
0x0: {  	(pc) =	sbr.rel $0x88, $3  }
0x1: {  	(tag) =	ssettag $0x0;
	lr =	simm.s32 $0x1  }
0x2: {  	[smem:$0x3F95] =	sst lr;
	_ =	strace $0xD0000000  }
0x3: {  	_ = 	snop  }
0x4: {  	_ = 	snop  }
0x5: {  	_ = 	snop  }
0x6: {  	_ = 	snop  }
0x7: {  	_ = 	snop  }
__scs_overlays_trampoline_lowered:
0x8: {  	[smem:$0x3FA4] =	sst s0  }
0x9: {  	[smem:$0x3FA5] =	sst s1  }
0xa: {  	[smem:$0x3FA6] =	sst s2  }
0xb: {  	[smem:$0x3FA7] =	sst s3  }
0xc: {  	[smem:$0x3FA8] =	sst s4  }
0xd: {  	[smem:$0x3FA9] =	sst s5  }
0xe: {  	[smem:$0x3FAA] =	sst s6  }
0xf: {  	[smem:$0x3FAB] =	sst s7  }
0x10: {  	[smem:$0x3FAC] =	sst s8  }
0x11: {  	[smem:$0x3FAD] =	sst s9;
	s0 =	simm.s32 @!p0 $0x0  }
0x12: {  	s1 =	sld [smem:$0x3F93];
	s0 =	simm.s32 @p0 $0x1  }
0x13: {  	[smem:$0x3FAE] =	sst s0;
	s0 =	simm.s32 @!p1 $0x0  }
0x14: {  	s2 =	sld [smem:$0x3F92];
	s0 =	simm.s32 @p1 $0x1  }
0x15: {  	[smem:$0x3FAF] =	sst s0;
	s0 =	simm.s32 @!p2 $0x0  }
0x16: {  	s3 =	sld [smem:$0x3FDB];
	s0 =	simm.s32 @p2 $0x1  }
0x17: {  	s4 =	simm.s32 $0x1BF5;
	[smem:$0x3FB1] =	sst s0  }
0x18: {  	s0 =	sld [smem:$0x3F94];
	_ =	swait.ge [sflag:s4], $0x0  }
0x19: {  	s7 =	sld [smem:$0x3F95]  }
0x1a: {  	s8 =	sadd.s32 $0xFFFFE003, lr  }
0x1b: {  	s9 =	sadd.s32 $0xFFFFFEF7, lr;
	s5 =	simm.s32 $0xFFFFFFFF;
	p2 =	slt.u32 s8, $0xFFFFF086  }
0x1c: {  	p1 =	slt.u32 s9, $0xF7A;
	s5 =	simm.s32 @!p2 $0x0  }
0x1d: {  	s5 =	simm.s32 @p1 $0x1;
	p0 =	seq.s32 s7, s2  }
0x1e: {  	s7 =	smul.u32 @!p0 $0xF7A, s2;
	p2 =	seq.s32 @!p0 s5, $0x0  }
0x1f: {  	s9 =	smul.u32 $0xF7A, s1;
	s8 =	simm.s32 @!p0 $0x1BF5;
	p2 =	por !p2, p0  }
0x20: {  	[sflag:s8] =	ssyncset.s32 @!p0 $0xFFFFF086;
	s6 =	sadd.s32 @!p0 s3, s7;
	s7 =	simm.s32 @!p0 $0x108  }
0x21: {  	s3 =	sadd.s32 s3, s9;
	s6 =	sadd.s32 @!p0 $0x88, s6;
	s7 =	simm.s32 @p2 $0x1082  }
0x22: {  	[simem:s7], [sflag:s8] =	dma.local @!p0 [hbm:s6], $0xF7A  }
0x23: {  	s9 =	sor.u32 $0xD0000000, s2;
	s6 =	simm.s32 $0x108;
	_ =	swait.ge @!p0 [sflag:s8], $0x0  }
0x24: {  	s3 =	sadd.s32 $0x88, s3;
	s6 =	simm.s32 @!p1 $0x1082;
	[sflag:s4] =	ssyncset.s32 $0xFFFFF086  }
0x25: {  	[simem:s6], [sflag:s4] =	dma.local [hbm:s3], $0xF7A  }
0x26: {  	[smem:$0x3F95] =	sst s1;
	(tag) =	ssettag s2;
	_ =	strace s9  }
0x27: {  	s1 =	sld [smem:$0x3FA5]  }
0x28: {  	s2 =	sld [smem:$0x3FA6]  }
0x29: {  	s4 =	sld [smem:$0x3FA8]  }
0x2a: {  	p0 =	seq.s32 s5, $0x0;
	s5 =	sld [smem:$0x3FA9]  }
0x2b: {  	s6 =	sld [smem:$0x3FAA]  }
0x2c: {  	s7 =	sld [smem:$0x3FAB]  }
0x2d: {  	s3 =	simm.s32 $0x108;
	s8 =	sld [smem:$0x3FAC]  }
0x2e: {  	s3 =	simm.s32 @!p0 $0x1082;
	s9 =	sld [smem:$0x3FAD]  }
0x2f: {  	lr =	sadd.s32 s0, s3;
	s0 =	sld [smem:$0x3FA4]  }
0x30: {  	s3 =	sld [smem:$0x3FA7]  }
0x31: {  	[smem:$0x3FB0] =	sst s10  }
0x32: {  	s10 =	sld [smem:$0x3FAE];
	_ =	sdelay $0x3  }
0x33: {  	p0 =	seq.s32 s10, $0x1;
	s10 =	sld [smem:$0x3FB0];
	_ =	sdelay $0x3  }
0x34: {  	[smem:$0x3FB0] =	sst s10  }
0x35: {  	s10 =	sld [smem:$0x3FAF];
	_ =	sdelay $0x3  }
0x36: {  	p1 =	seq.s32 s10, $0x1;
	s10 =	sld [smem:$0x3FB0];
	_ =	sdelay $0x3  }
0x37: {  	[smem:$0x3FB0] =	sst s10  }
0x38: {  	s10 =	sld [smem:$0x3FB1]  }
0x39: {  	_ = 	snop;
	(pc) =	sbr.ind lr, $3  }
0x3a: {  	_ = 	snop  }
0x3b: {  	_ = 	snop  }
0x3c: {  	p2 =	seq.s32 s10, $0x1;
	s10 =	sld [smem:$0x3FB0]  }
0x3d: {  	_ =	shalt  }
0x3e: {  	_ =	shalt  }
0x3f: {  	_ =	shalt  }
0x40: {  	_ =	shalt  }
0x41: {  	_ =	shalt  }
0x42: {  	_ =	shalt  }
0x43: {  	_ =	shalt  }
0x44: {  	_ =	shalt  }
0x45: {  	_ =	shalt  }
0x46: {  	_ =	shalt  }
0x47: {  	_ =	shalt  }
0x48: {  	_ =	shalt  }
0x49: {  	_ =	shalt  }
0x4a: {  	_ =	shalt  }
0x4b: {  	_ =	shalt  }
0x4c: {  	_ =	shalt  }
0x4d: {  	_ =	shalt  }
0x4e: {  	_ =	shalt  }
0x4f: {  	_ =	shalt  }
0x50: {  	_ =	shalt  }
0x51: {  	_ =	shalt  }
0x52: {  	_ =	shalt  }
0x53: {  	_ =	shalt  }
0x54: {  	_ =	shalt  }
0x55: {  	_ =	shalt  }
0x56: {  	_ =	shalt  }
0x57: {  	_ =	shalt  }
0x58: {  	_ =	shalt  }
0x59: {  	_ =	shalt  }
0x5a: {  	_ =	shalt  }
0x5b: {  	_ =	shalt  }
0x5c: {  	_ =	shalt  }
0x5d: {  	_ =	shalt  }
0x5e: {  	_ =	shalt  }
0x5f: {  	_ =	shalt  }
0x60: {  	_ =	shalt  }
0x61: {  	_ =	shalt  }
0x62: {  	_ =	shalt  }
0x63: {  	_ =	shalt  }
0x64: {  	_ =	shalt  }
0x65: {  	_ =	shalt  }
0x66: {  	_ =	shalt  }
0x67: {  	_ =	shalt  }
0x68: {  	_ =	shalt  }
0x69: {  	_ =	shalt  }
0x6a: {  	_ =	shalt  }
0x6b: {  	_ =	shalt  }
0x6c: {  	_ =	shalt  }
0x6d: {  	_ =	shalt  }
0x6e: {  	_ =	shalt  }
0x6f: {  	_ =	shalt  }
0x70: {  	_ =	shalt  }
0x71: {  	_ =	shalt  }
0x72: {  	_ =	shalt  }
0x73: {  	_ =	shalt  }
0x74: {  	_ =	shalt  }
0x75: {  	_ =	shalt  }
0x76: {  	_ =	shalt  }
0x77: {  	_ =	shalt  }
0x78: {  	_ =	shalt  }
0x79: {  	_ =	shalt  }
0x7a: {  	_ =	shalt  }
0x7b: {  	_ =	shalt  }
0x7c: {  	_ =	shalt  }
0x7d: {  	_ =	shalt  }
0x7e: {  	_ =	shalt  }
0x7f: {  	_ =	shalt  }
0x80: {  	_ =	shalt  }
0x81: {  	_ =	shalt  }
0x82: {  	_ =	shalt  }
0x83: {  	_ =	shalt  }
0x84: {  	_ =	shalt  }
0x85: {  	_ =	shalt  }
0x86: {  	_ =	shalt  }
0x87: {  	_ =	shalt  }
.Lfunc_end0:
.L_simem_size_0:
called_computation.1_lowered:
.L_overlay_start_0:
0x88: {  	s2 =	sld [smem:$0x3FD9]  }
0x89: {  	s3 =	sld [smem:$0x3FFE];
	_ =	sdelay $0x1  }
0x8a: {  	s1 =	srdreg.scid  }
0x8b: {  	s0 =	sand.u32 $0x1, s1  }
0x8c: {  	s17 =	sshll.u32 s0, $0xA;
	s2 =	sadd.s32 s3, s2  }
0x8d: {  	s2 =	sadd.s32 s2, s17  }
0x8e: {  	[smem:$0x3FBC] =	sst s2  }
0x8f: {  	_ = 	snop  }
0x90: {  	s2 =	sld [smem:$0x3FD0];
	(tm) =	ssettm $0x1  }
0x91: {  	s18 =	sld [smem:$0x3FFB];
	_ =	sdelay $0x3  }
0x92: {  	_ =	strace s18  }
0x93: {  	s3 =	sld [smem:$0x3FFC];
	_ =	sdelay $0x3  }
0x94: {  	_ =	strace s3  }
0x95: {  	s3 =	sld [smem:$0x3FFD];
	_ =	sdelay $0x3  }
0x96: {  	_ =	strace s3  }
0x97: {  	_ =	strace $0x8FFFFFFF  }
0x98: {  	s19 =	sld [smem:$0x3FDB];
	_ =	sdelay $0x1  }
0x99: {  	s4 =	simm.s32 $_scs_section_size  }
0x9a: {  	s5 =	simm.s32 $_size__tile_overlayer_lowered;
	s6 =	simm.s32 $_tile_overlayer_lowered  }
0x9b: {  	s22 =	simm.s32 $0x1BFF;
	s21 =	sshll.u32 s6, $0x1;
	s3 =	sadd.s32 s4, s19  }
0x9c: {  	s7 =	simm.s32 $0x0;
	s20 =	sshll.u32 s5, $0x1;
	s5 =	sadd.s32 s21, s3  }
0x9d: {  	[timem:s7], [sflag:s22] =	dma.local [hbm:s5], s20  }
0x9e: {  	_ =	swait.ge [sflag:s22], s20  }
0x9f: {  	s4 =	ssub.s32 $0x0, s20;
	[sflag:s22] =	ssyncset.done $0x0  }
0xa0: {  	[sflag:s22] =	ssyncadd.s32 s4;
	_ =	sdelay $0x1  }
0xa1: {  	s23 =	simm.s32 $0x1B8B  }
0xa2: {  	_ =	swait.ge [sflag:s23], $0x1  }
0xa3: {  	[sflag:s23] =	ssyncset.done $0x0  }
0xa4: {  	s25 =	simm.s32 $0x1B8E;
	s24 =	sld [smem:$0x3FFE];
	[sflag:s23] =	ssyncadd.s32 $0xFFFFFFFF  }
0xa5: {  	s26 =	simm.s32 $execute0_lowered;
	[smem:$0x3FD2] =	sst s25  }
0xa6: {  	s5 =	sshll.u32 s26, $0x1;
	_ =	strace $0x80000049;
	[dreg:$0x1] =	wrdreg $0xFFFFFFFF  }
0xa7: {  	s28 =	simm.s32 $_size_execute0_lowered;
	s3 =	sadd.s32 s3, s5;
	[dreg:$0x0] =	wrdreg $0x0  }
0xa8: {  	s5 =	sshll.u32 s28, $0x1;
	[dreg:$0x2] =	wrdreg s3  }
0xa9: {  	[dreg:$0x3] =	wrdreg s5  }
0xaa: {  	[dreg:$0x4] =	wrdreg $0xC0  }
0xab: {  	_ =	task [dreg:s7], $0x5FFFF  }
0xac: {  	[dreg:$0x1] =	wrdreg $0xFFFFFFFF  }
0xad: {  	[dreg:$0x0] =	wrdreg $0x60  }
0xae: {  	[dreg:$0x2] =	wrdreg s2  }
0xaf: {  	[dreg:$0x3] =	wrdreg s24  }
0xb0: {  	[dreg:$0x4] =	wrdreg $0x29000  }
0xb1: {  	[dreg:$0x5] =	wrdreg $0x9  }
0xb2: {  	_ =	task.clear_ibuf [dreg:s7], $0x6FFFF;
	_ =	strace $0x90000049  }
0xb3: {  	s29 =	simm.s32 $0x9;
	_ =	strace $0x8000004B  }
0xb4: {  	_ =	swait.ge [sflag:s29], $0x1  }
0xb5: {  	[sflag:s29] =	ssyncadd.s32 $0xFFFFFFFF  }
0xb6: {  	_ =	strace $0x9000004B  }
0xb7: {  	_ =	sfence  }
0xb8: {  	s30 =	sld [smem:$0x0];
	_ =	sdelay $0x2  }
0xb9: {  	s31 =	sshll.u32 s1, $0xD;
	s1 =	sshrl.u32 s1, $0x2  }
0xba: {  	s3 =	sand.u32 $0x4000, s31;
	s1 =	sadd.s32 s1, s30  }
0xbb: {  	s0 =	sor.u32 s3, s0;
	s1 =	sshll.u32 s1, $0x11  }
0xbc: {  	s0 =	sor.u32 s1, s0  }
0xbd: {  	s0 =	sadd.s32 $0x8F2B, s0  }
0xbe: {  	[sflag:s0] =	ssyncadd.remote.s32 $0x1  }
0xbf: {  	_ =	sfence.sel $0xFFFF  }
0xc0: {  	[dreg:$0x0] =	wrdreg $0xFFFFFFFF;
	(pc) =	sbr.abs _section_cstart, $3  }
0xc1: {  	[dreg:$0x1] =	wrdreg $0xFFFFFFFF  }
0xc2: {  	_ =	task.clear_ibuf [dreg:s7], $0x2FFFF;
	_ =	strace $0x9FFFFFFF  }
0xc3: {  	(tm) =	ssettm $0x7FFFFFFF  }
tec
execute0_lowered:
.L_overlay_start_1:
0x0: {  	(tag) =	ssettag $0x1  }
0x1: {  	s1 =	rddreg [dreg:$0x0]  }
0x2: {  	s2 =	srdreg.scid;
	s5 =	rddreg [dreg:$0x1]  }
0x3: {  	s0 =	stileid.u32;
	s3 =	rddreg [dreg:$0x2];
	s4 =	simm.s32 $0x0  }
0x4: {  	s13 =	simm.s32 $0x80;
	s14 =	simm.s32 $0x50;
	s7 =	smul.u32 $0x4E20, s0  }
0x5: {  	s15 =	simm.s32 $0x100;
	s16 =	simm.s32 $0x1;
	s26 =	smul.u32 $0x14000, s0  }
0x6: {  	s6 =	sand.u32 $0x1, s2;
	s2 =	rddreg [dreg:$0x3];
	s29 =	smul.u32 $0x50000, s0  }
0x7: {  	s17 =	simm.s32 $0x0;
	[smem:$0x7FF] =	sst s4;
	s8 =	smul.u32 $0x2710, s6  }
0x8: {  	s31 =	sshll.u32 s0, $0x6;
	s9 =	smul.u32 $0x140000, s6;
	s6 =	ssub.s32 $0x2, s6  }
0x9: {  	_ =	strace $0x8000004A;
	s28 =	sshrl.u32 s26, $0x3;
	s11 =	sshrl.u32 s6, $0x1  }
0xa: {  	s30 =	sshrl.u32 s29, $0x2;
	s7 =	sadd.s32 s8, s7;
	s8 =	sadd.s32 s26, s9  }
0xb: {  	s11 =	ssub.s32 s6, s11;
	s12 =	sadd.s32 s30, s3;
	s7 =	sshrl.u32 s7, $0x3  }
0xc: {  	s8 =	sshrl.u32 s8, $0x3;
	s10 =	sadd.s32 s7, s5;
	s7 =	sadd.s32 s28, s5  }
0xd: {  	s6 =	sor.u32 $0x1C02, s31;
	s8 =	sadd.s32 s8, s5;
	s5 =	sadd.s32 $0x17800, s7  }
0xe: {  	s7 =	sadd.s32 $0xDF800, s8;
	s8 =	smax.u32 s11, $0x1;
	s9 =	sadd.s32 $0x3C00, s10  }
0xf: {  	s10 =	sadd.s32 $0xDA00, s10;
	s11 =	sshrl.u32 s12, $0x3;
	s12 =	simm.s32 $0x2  }
.LBB2_1:
0x10: {  	[spmem:s11], [sflag:s6] =	dma.local [hbm:s5], $0x2800  }
0x11: {  	_ =	swait.ge [sflag:s12], $0x2800  }
0x12: {  	[sflag:s12] =	ssyncset.done $0x0  }
0x13: {  	[sflag:s12] =	ssyncadd.s32 $0xFFFFD800  }
0x14: {  	s18 =	sadd.s32 $0x0, s10;
	[bflag:$0x0] =	sbarrier.arrive $0xFFFF  }
0x15: {  	[tilespmem:s4], [sflag:$0x2] =	stream.linear.gather [hbm4b:s18+s4], $0x50, $0x38;
	[tilespmem:$0x16900] =	vst v63  }
0x16: {  	_ =	swait.ge [sflag:s12], $0x50  }
0x17: {  	[sflag:s12] =	ssyncset.done $0x0  }
0x18: {  	s31 =	sadd.s32 $0x0, s9;
	[sflag:s12] =	ssyncadd.s32 $0xFFFFFFB0  }
0x19: {  	[tilespmem:s13], [sflag:$0x2] =	stream.linear.gather [hbm4b:s31+s4], $0x50, $0x38;
	[tilespmem:$0x16900] =	vst v63  }
0x1a: {  	_ =	swait.ge [sflag:s12], $0x50  }
0x1b: {  	[sflag:s12] =	ssyncset.done $0x0  }
0x1c: {  	[sflag:s12] =	ssyncadd.s32 $0xFFFFFFB0  }
0x1d: {  	[tilespmem:s15], [sflag:$0x1] =	stream.indirect.gather [hbm4b:s1+s14], $0x80, s4, s14, $0xb8;
	[tilespmem:$0x16900] =	vst v63  }
0x1e: {  	_ =	swait.ge [sflag:s16], $0x2800  }
0x1f: {  	[sflag:s16] =	ssyncset.done $0x0  }
0x20: {  	[sflag:s16] =	ssyncadd.s32 $0xFFFFD800  }
0x21: {  	[spmem:s3] =	stream.indirect.scatter.add.f32 [tilespmem:s15], [sflag:$0x2], $0x80, s13, s14, $0xb8;
	[tilespmem:$0x16900] =	vst v63  }
0x22: {  	_ =	swait.ge [sflag:s12], $0x2800  }
0x23: {  	s19 =	simm.s32 $0x14;
	s18 =	simm.s32 $0xA;
	[sflag:s12] =	ssyncset.done $0x0  }
.LBB2_2:
0x24: {  	s20 =	sadd.s32 s18, s10  }
0x25: {  	[sflag:s12] =	ssyncadd.s32 $0xFFFFD800;
	s21 =	smov.u32 s19;
	s22 =	sadd.s32 $0xA, s19  }
0x26: {  	[tilespmem:s4], [sflag:$0x2] =	stream.linear.gather [hbm4b:s20+s4], $0x50, $0x38;
	[tilespmem:$0x16900] =	vst v63  }
0x27: {  	p0 =	sne.s32 s19, $0x4D8;
	_ =	swait.ge [sflag:s12], $0x50  }
0x28: {  	[sflag:s12] =	ssyncset.done $0x0  }
0x29: {  	s19 =	sadd.s32 s18, s9;
	s18 =	smov.u32 s21;
	[sflag:s12] =	ssyncadd.s32 $0xFFFFFFB0  }
0x2a: {  	[tilespmem:s13], [sflag:$0x2] =	stream.linear.gather [hbm4b:s19+s4], $0x50, $0x38;
	[tilespmem:$0x16900] =	vst v63  }
0x2b: {  	_ =	swait.ge [sflag:s12], $0x50  }
0x2c: {  	[sflag:s12] =	ssyncset.done $0x0  }
0x2d: {  	[sflag:s12] =	ssyncadd.s32 $0xFFFFFFB0  }
0x2e: {  	[tilespmem:s15], [sflag:$0x1] =	stream.indirect.gather [hbm4b:s1+s14], $0x80, s4, s14, $0xb8;
	[tilespmem:$0x16900] =	vst v63  }
0x2f: {  	_ =	swait.ge [sflag:s16], $0x2800  }
.Ltmp0:
0x30: {  	[sflag:s16] =	ssyncset.done $0x0;
	(pc) =	sbr.rel @p0 .LBB2_2-.Ltmp0, $4  }
0x31: {  	[sflag:s16] =	ssyncadd.s32 $0xFFFFD800  }
0x32: {  	[spmem:s3] =	stream.indirect.scatter.add.f32 [tilespmem:s15], [sflag:$0x2], $0x80, s13, s14, $0xb8;
	[tilespmem:$0x16900] =	vst v63  }
0x33: {  	_ =	swait.ge [sflag:s12], $0x2800  }
0x34: {  	s19 =	smov.u32 s22;
	[sflag:s12] =	ssyncset.done $0x0  }
0x35: {  	s19 =	sadd.s32 s18, s10;
	[sflag:s12] =	ssyncadd.s32 $0xFFFFD800  }
0x36: {  	[tilespmem:s4], [sflag:$0x2] =	stream.linear.gather [hbm4b:s19+s4], $0x50, $0x38;
	[tilespmem:$0x16900] =	vst v63  }
0x37: {  	_ =	swait.ge [sflag:s12], $0x50  }
0x38: {  	[sflag:s12] =	ssyncset.done $0x0  }
0x39: {  	s31 =	sadd.s32 s18, s9;
	[sflag:s12] =	ssyncadd.s32 $0xFFFFFFB0  }
0x3a: {  	[tilespmem:s13], [sflag:$0x2] =	stream.linear.gather [hbm4b:s31+s4], $0x50, $0x38;
	[tilespmem:$0x16900] =	vst v63  }
0x3b: {  	_ =	swait.ge [sflag:s12], $0x50  }
0x3c: {  	[sflag:s12] =	ssyncset.done $0x0  }
0x3d: {  	[sflag:s12] =	ssyncadd.s32 $0xFFFFFFB0  }
0x3e: {  	[tilespmem:s15], [sflag:$0x1] =	stream.indirect.gather [hbm4b:s1+s14], $0x80, s4, s14, $0xb8;
	[tilespmem:$0x16900] =	vst v63  }
0x3f: {  	_ =	swait.ge [sflag:s16], $0x2800  }
0x40: {  	[sflag:s16] =	ssyncset.done $0x0  }
0x41: {  	[sflag:s16] =	ssyncadd.s32 $0xFFFFD800  }
0x42: {  	[spmem:s3] =	stream.indirect.scatter.add.f32 [tilespmem:s15], [sflag:$0x2], $0x80, s13, s14, $0xb8;
	[tilespmem:$0x16900] =	vst v63  }
0x43: {  	_ =	swait.ge [sflag:s12], $0x2800  }
0x44: {  	s17 =	sadd.s32 $0x1, s17;
	[sflag:s12] =	ssyncset.done $0x0  }
0x45: {  	p0 =	sne.s32 s17, s8;
	[sflag:s12] =	ssyncadd.s32 $0xFFFFD800  }
.Ltmp1:
0x46: {  	[bflag:$0x0] =	sbarrier.arrive $0xFFFF;
	(pc) =	sbr.rel @p0 .LBB2_1-.Ltmp1, $4  }
0x47: {  	[hbm:s7], [sflag:s6] =	dma.local [spmem:s11], $0x2800  }
0x48: {  	_ =	swait.ge [sflag:s12], $0x2800  }
0x49: {  	[sflag:s12] =	ssyncset.done $0x0  }
0x4a: {  	[sflag:s12] =	ssyncadd.s32 $0xFFFFD800  }
0x4b: {  	_ =	sfence.sel $0x180000  }
0x4c: {  	[bflag:$0x0] =	sbarrier.arrive $0xFFFF  }
0x4d: {  	p0 =	sne.s32 s0, $0x0;
	_ =	strace $0x9000004A  }
0x4e: {  	s0 =	sadd.s32 @!p0 $0x100000, s2;
	[bflag:$0x2] =	sbarrier.arrive $0xFFFF  }
0x4f: {  	[sflag:s0] =	ssyncadd.tile.s32 @!p0 $0x1;
	_ =	shalt  }
.Lfunc_end2:
_tile_overlayer_lowered:
.L_overlay_start_2:
0x50: {  	(tag) =	ssettag $0x2  }
0x51: {  	s0 =	rddreg [dreg:$0x0];
	s2 =	stileid.u32  }
0x52: {  	s1 =	rddreg [dreg:$0x1];
	p0 =	sne.s32 s2, $0x0  }
0x53: {  	s3 =	rddreg [dreg:$0x2];
	[bflag:$0x3] =	sbarrier.arrive $0xFFFF;
	s2 =	simm.s32 @!p0 $0x1C02  }
0x54: {  	[timem:s3], [sflag:s2] =	dma.local @!p0 [hbm:s0], s1  }
0x55: {  	s0 =	simm.s32 @!p0 $0x2  }
0x56: {  	_ =	swait.ge @!p0 [sflag:s0], s1  }
0x57: {  	s1 =	ssub.s32 @!p0 $0x0, s1;
	[sflag:s0] =	ssyncset.done @!p0 $0x0  }
0x58: {  	[sflag:s0] =	ssyncadd.s32 @!p0 s1  }
0x59: {  	[bflag:$0x3] =	sbarrier.arrive $0xFFFF  }
0x5a: {  	_ =	shalt  }

// kernel: kernel.16.cloned.1.call-start
scs
__scs_entry_jumppad:
0x0: {  	(pc) =	sbr.rel $0x88, $3  }
0x1: {  	(tag) =	ssettag $0x0;
	lr =	simm.s32 $0x1  }
0x2: {  	[smem:$0x3F95] =	sst lr;
	_ =	strace $0xD0000000  }
0x3: {  	_ = 	snop  }
0x4: {  	_ = 	snop  }
0x5: {  	_ = 	snop  }
0x6: {  	_ = 	snop  }
0x7: {  	_ = 	snop  }
__scs_overlays_trampoline_lowered:
0x8: {  	[smem:$0x3FA4] =	sst s0  }
0x9: {  	[smem:$0x3FA5] =	sst s1  }
0xa: {  	[smem:$0x3FA6] =	sst s2  }
0xb: {  	[smem:$0x3FA7] =	sst s3  }
0xc: {  	[smem:$0x3FA8] =	sst s4  }
0xd: {  	[smem:$0x3FA9] =	sst s5  }
0xe: {  	[smem:$0x3FAA] =	sst s6  }
0xf: {  	[smem:$0x3FAB] =	sst s7  }
0x10: {  	[smem:$0x3FAC] =	sst s8  }
0x11: {  	[smem:$0x3FAD] =	sst s9;
	s0 =	simm.s32 @!p0 $0x0  }
0x12: {  	s1 =	sld [smem:$0x3F93];
	s0 =	simm.s32 @p0 $0x1  }
0x13: {  	[smem:$0x3FAE] =	sst s0;
	s0 =	simm.s32 @!p1 $0x0  }
0x14: {  	s2 =	sld [smem:$0x3F92];
	s0 =	simm.s32 @p1 $0x1  }
0x15: {  	[smem:$0x3FAF] =	sst s0;
	s0 =	simm.s32 @!p2 $0x0  }
0x16: {  	s3 =	sld [smem:$0x3FDB];
	s0 =	simm.s32 @p2 $0x1  }
0x17: {  	s4 =	simm.s32 $0x1BF5;
	[smem:$0x3FB1] =	sst s0  }
0x18: {  	s0 =	sld [smem:$0x3F94];
	_ =	swait.ge [sflag:s4], $0x0  }
0x19: {  	s7 =	sld [smem:$0x3F95]  }
0x1a: {  	s8 =	sadd.s32 $0xFFFFE003, lr  }
0x1b: {  	s9 =	sadd.s32 $0xFFFFFEF7, lr;
	s5 =	simm.s32 $0xFFFFFFFF;
	p2 =	slt.u32 s8, $0xFFFFF086  }
0x1c: {  	p1 =	slt.u32 s9, $0xF7A;
	s5 =	simm.s32 @!p2 $0x0  }
0x1d: {  	s5 =	simm.s32 @p1 $0x1;
	p0 =	seq.s32 s7, s2  }
0x1e: {  	s7 =	smul.u32 @!p0 $0xF7A, s2;
	p2 =	seq.s32 @!p0 s5, $0x0  }
0x1f: {  	s9 =	smul.u32 $0xF7A, s1;
	s8 =	simm.s32 @!p0 $0x1BF5;
	p2 =	por !p2, p0  }
0x20: {  	[sflag:s8] =	ssyncset.s32 @!p0 $0xFFFFF086;
	s6 =	sadd.s32 @!p0 s3, s7;
	s7 =	simm.s32 @!p0 $0x108  }
0x21: {  	s3 =	sadd.s32 s3, s9;
	s6 =	sadd.s32 @!p0 $0x88, s6;
	s7 =	simm.s32 @p2 $0x1082  }
0x22: {  	[simem:s7], [sflag:s8] =	dma.local @!p0 [hbm:s6], $0xF7A  }
0x23: {  	s9 =	sor.u32 $0xD0000000, s2;
	s6 =	simm.s32 $0x108;
	_ =	swait.ge @!p0 [sflag:s8], $0x0  }
0x24: {  	s3 =	sadd.s32 $0x88, s3;
	s6 =	simm.s32 @!p1 $0x1082;
	[sflag:s4] =	ssyncset.s32 $0xFFFFF086  }
0x25: {  	[simem:s6], [sflag:s4] =	dma.local [hbm:s3], $0xF7A  }
0x26: {  	[smem:$0x3F95] =	sst s1;
	(tag) =	ssettag s2;
	_ =	strace s9  }
0x27: {  	s1 =	sld [smem:$0x3FA5]  }
0x28: {  	s2 =	sld [smem:$0x3FA6]  }
0x29: {  	s4 =	sld [smem:$0x3FA8]  }
0x2a: {  	p0 =	seq.s32 s5, $0x0;
	s5 =	sld [smem:$0x3FA9]  }
0x2b: {  	s6 =	sld [smem:$0x3FAA]  }
0x2c: {  	s7 =	sld [smem:$0x3FAB]  }
0x2d: {  	s3 =	simm.s32 $0x108;
	s8 =	sld [smem:$0x3FAC]  }
0x2e: {  	s3 =	simm.s32 @!p0 $0x1082;
	s9 =	sld [smem:$0x3FAD]  }
0x2f: {  	lr =	sadd.s32 s0, s3;
	s0 =	sld [smem:$0x3FA4]  }
0x30: {  	s3 =	sld [smem:$0x3FA7]  }
0x31: {  	[smem:$0x3FB0] =	sst s10  }
0x32: {  	s10 =	sld [smem:$0x3FAE];
	_ =	sdelay $0x3  }
0x33: {  	p0 =	seq.s32 s10, $0x1;
	s10 =	sld [smem:$0x3FB0];
	_ =	sdelay $0x3  }
0x34: {  	[smem:$0x3FB0] =	sst s10  }
0x35: {  	s10 =	sld [smem:$0x3FAF];
	_ =	sdelay $0x3  }
0x36: {  	p1 =	seq.s32 s10, $0x1;
	s10 =	sld [smem:$0x3FB0];
	_ =	sdelay $0x3  }
0x37: {  	[smem:$0x3FB0] =	sst s10  }
0x38: {  	s10 =	sld [smem:$0x3FB1]  }
0x39: {  	_ = 	snop;
	(pc) =	sbr.ind lr, $3  }
0x3a: {  	_ = 	snop  }
0x3b: {  	_ = 	snop  }
0x3c: {  	p2 =	seq.s32 s10, $0x1;
	s10 =	sld [smem:$0x3FB0]  }
0x3d: {  	_ =	shalt  }
0x3e: {  	_ =	shalt  }
0x3f: {  	_ =	shalt  }
0x40: {  	_ =	shalt  }
0x41: {  	_ =	shalt  }
0x42: {  	_ =	shalt  }
0x43: {  	_ =	shalt  }
0x44: {  	_ =	shalt  }
0x45: {  	_ =	shalt  }
0x46: {  	_ =	shalt  }
0x47: {  	_ =	shalt  }
0x48: {  	_ =	shalt  }
0x49: {  	_ =	shalt  }
0x4a: {  	_ =	shalt  }
0x4b: {  	_ =	shalt  }
0x4c: {  	_ =	shalt  }
0x4d: {  	_ =	shalt  }
0x4e: {  	_ =	shalt  }
0x4f: {  	_ =	shalt  }
0x50: {  	_ =	shalt  }
0x51: {  	_ =	shalt  }
0x52: {  	_ =	shalt  }
0x53: {  	_ =	shalt  }
0x54: {  	_ =	shalt  }
0x55: {  	_ =	shalt  }
0x56: {  	_ =	shalt  }
0x57: {  	_ =	shalt  }
0x58: {  	_ =	shalt  }
0x59: {  	_ =	shalt  }
0x5a: {  	_ =	shalt  }
0x5b: {  	_ =	shalt  }
0x5c: {  	_ =	shalt  }
0x5d: {  	_ =	shalt  }
0x5e: {  	_ =	shalt  }
0x5f: {  	_ =	shalt  }
0x60: {  	_ =	shalt  }
0x61: {  	_ =	shalt  }
0x62: {  	_ =	shalt  }
0x63: {  	_ =	shalt  }
0x64: {  	_ =	shalt  }
0x65: {  	_ =	shalt  }
0x66: {  	_ =	shalt  }
0x67: {  	_ =	shalt  }
0x68: {  	_ =	shalt  }
0x69: {  	_ =	shalt  }
0x6a: {  	_ =	shalt  }
0x6b: {  	_ =	shalt  }
0x6c: {  	_ =	shalt  }
0x6d: {  	_ =	shalt  }
0x6e: {  	_ =	shalt  }
0x6f: {  	_ =	shalt  }
0x70: {  	_ =	shalt  }
0x71: {  	_ =	shalt  }
0x72: {  	_ =	shalt  }
0x73: {  	_ =	shalt  }
0x74: {  	_ =	shalt  }
0x75: {  	_ =	shalt  }
0x76: {  	_ =	shalt  }
0x77: {  	_ =	shalt  }
0x78: {  	_ =	shalt  }
0x79: {  	_ =	shalt  }
0x7a: {  	_ =	shalt  }
0x7b: {  	_ =	shalt  }
0x7c: {  	_ =	shalt  }
0x7d: {  	_ =	shalt  }
0x7e: {  	_ =	shalt  }
0x7f: {  	_ =	shalt  }
0x80: {  	_ =	shalt  }
0x81: {  	_ =	shalt  }
0x82: {  	_ =	shalt  }
0x83: {  	_ =	shalt  }
0x84: {  	_ =	shalt  }
0x85: {  	_ =	shalt  }
0x86: {  	_ =	shalt  }
0x87: {  	_ =	shalt  }
.Lfunc_end0:
.L_simem_size_0:
called_computation.2_lowered:
.L_overlay_start_0:
0x88: {  	s2 =	sld [smem:$0x3FD9]  }
0x89: {  	s3 =	sld [smem:$0x3FFE];
	_ =	sdelay $0x1  }
0x8a: {  	s1 =	srdreg.scid  }
0x8b: {  	s0 =	sand.u32 $0x1, s1  }
0x8c: {  	s17 =	sshll.u32 s0, $0xA;
	s2 =	sadd.s32 s3, s2  }
0x8d: {  	s2 =	sadd.s32 s2, s17  }
0x8e: {  	[smem:$0x3FBC] =	sst s2  }
0x8f: {  	_ = 	snop  }
0x90: {  	s2 =	sld [smem:$0x3FD0];
	(tm) =	ssettm $0x1  }
0x91: {  	s18 =	sld [smem:$0x3FFB];
	_ =	sdelay $0x3  }
0x92: {  	_ =	strace s18  }
0x93: {  	s3 =	sld [smem:$0x3FFC];
	_ =	sdelay $0x3  }
0x94: {  	_ =	strace s3  }
0x95: {  	s3 =	sld [smem:$0x3FFD];
	_ =	sdelay $0x3  }
0x96: {  	_ =	strace s3  }
0x97: {  	_ =	strace $0x8FFFFFFF  }
0x98: {  	s19 =	sld [smem:$0x3FDB];
	_ =	sdelay $0x1  }
0x99: {  	s4 =	simm.s32 $_scs_section_size  }
0x9a: {  	s5 =	simm.s32 $_size__tile_overlayer_lowered;
	s6 =	simm.s32 $_tile_overlayer_lowered  }
0x9b: {  	s22 =	simm.s32 $0x1BFF;
	s21 =	sshll.u32 s6, $0x1;
	s3 =	sadd.s32 s4, s19  }
0x9c: {  	s7 =	simm.s32 $0x0;
	s20 =	sshll.u32 s5, $0x1;
	s5 =	sadd.s32 s21, s3  }
0x9d: {  	[timem:s7], [sflag:s22] =	dma.local [hbm:s5], s20  }
0x9e: {  	_ =	swait.ge [sflag:s22], s20  }
0x9f: {  	s4 =	ssub.s32 $0x0, s20;
	[sflag:s22] =	ssyncset.done $0x0  }
0xa0: {  	[sflag:s22] =	ssyncadd.s32 s4;
	_ =	sdelay $0x1  }
0xa1: {  	s23 =	simm.s32 $0x1B8B  }
0xa2: {  	_ =	swait.ge [sflag:s23], $0x1  }
0xa3: {  	[sflag:s23] =	ssyncset.done $0x0  }
0xa4: {  	s25 =	simm.s32 $0x1B8E;
	s24 =	sld [smem:$0x3FFE];
	[sflag:s23] =	ssyncadd.s32 $0xFFFFFFFF  }
0xa5: {  	s26 =	simm.s32 $execute0_lowered;
	[smem:$0x3FD2] =	sst s25  }
0xa6: {  	s5 =	sshll.u32 s26, $0x1;
	_ =	strace $0x8000004C;
	[dreg:$0x1] =	wrdreg $0xFFFFFFFF  }
0xa7: {  	s28 =	simm.s32 $_size_execute0_lowered;
	s3 =	sadd.s32 s3, s5;
	[dreg:$0x0] =	wrdreg $0x0  }
0xa8: {  	s5 =	sshll.u32 s28, $0x1;
	[dreg:$0x2] =	wrdreg s3  }
0xa9: {  	[dreg:$0x3] =	wrdreg s5  }
0xaa: {  	[dreg:$0x4] =	wrdreg $0xC0  }
0xab: {  	_ =	task [dreg:s7], $0x5FFFF  }
0xac: {  	[dreg:$0x1] =	wrdreg $0xFFFFFFFF  }
0xad: {  	[dreg:$0x0] =	wrdreg $0x60  }
0xae: {  	[dreg:$0x2] =	wrdreg s2  }
0xaf: {  	[dreg:$0x3] =	wrdreg s24  }
0xb0: {  	[dreg:$0x4] =	wrdreg $0x29000  }
0xb1: {  	[dreg:$0x5] =	wrdreg $0x9  }
0xb2: {  	_ =	task.clear_ibuf [dreg:s7], $0x6FFFF;
	_ =	strace $0x9000004C  }
0xb3: {  	s29 =	simm.s32 $0x9;
	_ =	strace $0x8000004E  }
0xb4: {  	_ =	swait.ge [sflag:s29], $0x1  }
0xb5: {  	[sflag:s29] =	ssyncadd.s32 $0xFFFFFFFF  }
0xb6: {  	_ =	strace $0x9000004E  }
0xb7: {  	_ =	sfence  }
0xb8: {  	s30 =	sld [smem:$0x0];
	_ =	sdelay $0x2  }
0xb9: {  	s31 =	sshll.u32 s1, $0xD;
	s1 =	sshrl.u32 s1, $0x2  }
0xba: {  	s3 =	sand.u32 $0x4000, s31;
	s1 =	sadd.s32 s1, s30  }
0xbb: {  	s0 =	sor.u32 s3, s0;
	s1 =	sshll.u32 s1, $0x11  }
0xbc: {  	s0 =	sor.u32 s1, s0  }
0xbd: {  	s0 =	sadd.s32 $0x8F2B, s0  }
0xbe: {  	[sflag:s0] =	ssyncadd.remote.s32 $0x1  }
0xbf: {  	_ =	sfence.sel $0xFFFF  }
0xc0: {  	[dreg:$0x0] =	wrdreg $0xFFFFFFFF;
	(pc) =	sbr.abs _section_cstart, $3  }
0xc1: {  	[dreg:$0x1] =	wrdreg $0xFFFFFFFF  }
0xc2: {  	_ =	task.clear_ibuf [dreg:s7], $0x2FFFF;
	_ =	strace $0x9FFFFFFF  }
0xc3: {  	(tm) =	ssettm $0x7FFFFFFF  }
tec
execute0_lowered:
.L_overlay_start_1:
0x0: {  	(tag) =	ssettag $0x1  }
0x1: {  	s1 =	rddreg [dreg:$0x0]  }
0x2: {  	s2 =	srdreg.scid;
	s5 =	rddreg [dreg:$0x1]  }
0x3: {  	s0 =	stileid.u32;
	s3 =	rddreg [dreg:$0x2];
	s4 =	simm.s32 $0x0  }
0x4: {  	s13 =	simm.s32 $0x80;
	s14 =	simm.s32 $0x50;
	s7 =	smul.u32 $0x4E20, s0  }
0x5: {  	s15 =	simm.s32 $0x100;
	s16 =	simm.s32 $0x1;
	s26 =	smul.u32 $0x14000, s0  }
0x6: {  	s6 =	sand.u32 $0x1, s2;
	s2 =	rddreg [dreg:$0x3];
	s29 =	smul.u32 $0x50000, s0  }
0x7: {  	s17 =	simm.s32 $0x0;
	[smem:$0x7FF] =	sst s4;
	s8 =	smul.u32 $0x2710, s6  }
0x8: {  	s31 =	sshll.u32 s0, $0x6;
	s9 =	smul.u32 $0x140000, s6;
	s6 =	ssub.s32 $0x2, s6  }
0x9: {  	_ =	strace $0x8000004D;
	s28 =	sshrl.u32 s26, $0x3;
	s11 =	sshrl.u32 s6, $0x1  }
0xa: {  	s30 =	sshrl.u32 s29, $0x2;
	s7 =	sadd.s32 s8, s7;
	s8 =	sadd.s32 s26, s9  }
0xb: {  	s11 =	ssub.s32 s6, s11;
	s12 =	sadd.s32 s30, s3;
	s7 =	sshrl.u32 s7, $0x3  }
0xc: {  	s8 =	sshrl.u32 s8, $0x3;
	s10 =	sadd.s32 s7, s5;
	s7 =	sadd.s32 s28, s5  }
0xd: {  	s6 =	sor.u32 $0x1C02, s31;
	s8 =	sadd.s32 s8, s5;
	s5 =	sadd.s32 $0x17800, s7  }
0xe: {  	s7 =	sadd.s32 $0xDF800, s8;
	s8 =	smax.u32 s11, $0x1;
	s9 =	sadd.s32 $0x3C00, s10  }
0xf: {  	s10 =	sadd.s32 $0xDA00, s10;
	s11 =	sshrl.u32 s12, $0x3;
	s12 =	simm.s32 $0x2  }
.LBB2_1:
0x10: {  	[spmem:s11], [sflag:s6] =	dma.local [hbm:s5], $0x2800  }
0x11: {  	_ =	swait.ge [sflag:s12], $0x2800  }
0x12: {  	[sflag:s12] =	ssyncset.done $0x0  }
0x13: {  	[sflag:s12] =	ssyncadd.s32 $0xFFFFD800  }
0x14: {  	s18 =	sadd.s32 $0x0, s10;
	[bflag:$0x0] =	sbarrier.arrive $0xFFFF  }
0x15: {  	[tilespmem:s4], [sflag:$0x2] =	stream.linear.gather [hbm4b:s18+s4], $0x50, $0x38;
	[tilespmem:$0x16900] =	vst v63  }
0x16: {  	_ =	swait.ge [sflag:s12], $0x50  }
0x17: {  	[sflag:s12] =	ssyncset.done $0x0  }
0x18: {  	s31 =	sadd.s32 $0x0, s9;
	[sflag:s12] =	ssyncadd.s32 $0xFFFFFFB0  }
0x19: {  	[tilespmem:s13], [sflag:$0x2] =	stream.linear.gather [hbm4b:s31+s4], $0x50, $0x38;
	[tilespmem:$0x16900] =	vst v63  }
0x1a: {  	_ =	swait.ge [sflag:s12], $0x50  }
0x1b: {  	[sflag:s12] =	ssyncset.done $0x0  }
0x1c: {  	[sflag:s12] =	ssyncadd.s32 $0xFFFFFFB0  }
0x1d: {  	[tilespmem:s15], [sflag:$0x1] =	stream.indirect.gather [hbm4b:s1+s14], $0x80, s4, s14, $0xb8;
	[tilespmem:$0x16900] =	vst v63  }
0x1e: {  	_ =	swait.ge [sflag:s16], $0x2800  }
0x1f: {  	[sflag:s16] =	ssyncset.done $0x0  }
0x20: {  	[sflag:s16] =	ssyncadd.s32 $0xFFFFD800  }
0x21: {  	[spmem:s3] =	stream.indirect.scatter.add.f32 [tilespmem:s15], [sflag:$0x2], $0x80, s13, s14, $0xb8;
	[tilespmem:$0x16900] =	vst v63  }
0x22: {  	_ =	swait.ge [sflag:s12], $0x2800  }
0x23: {  	s19 =	simm.s32 $0x14;
	s18 =	simm.s32 $0xA;
	[sflag:s12] =	ssyncset.done $0x0  }
.LBB2_2:
0x24: {  	s20 =	sadd.s32 s18, s10  }
0x25: {  	[sflag:s12] =	ssyncadd.s32 $0xFFFFD800;
	s21 =	smov.u32 s19;
	s22 =	sadd.s32 $0xA, s19  }
0x26: {  	[tilespmem:s4], [sflag:$0x2] =	stream.linear.gather [hbm4b:s20+s4], $0x50, $0x38;
	[tilespmem:$0x16900] =	vst v63  }
0x27: {  	p0 =	sne.s32 s19, $0x4D8;
	_ =	swait.ge [sflag:s12], $0x50  }
0x28: {  	[sflag:s12] =	ssyncset.done $0x0  }
0x29: {  	s19 =	sadd.s32 s18, s9;
	s18 =	smov.u32 s21;
	[sflag:s12] =	ssyncadd.s32 $0xFFFFFFB0  }
0x2a: {  	[tilespmem:s13], [sflag:$0x2] =	stream.linear.gather [hbm4b:s19+s4], $0x50, $0x38;
	[tilespmem:$0x16900] =	vst v63  }
0x2b: {  	_ =	swait.ge [sflag:s12], $0x50  }
0x2c: {  	[sflag:s12] =	ssyncset.done $0x0  }
0x2d: {  	[sflag:s12] =	ssyncadd.s32 $0xFFFFFFB0  }
0x2e: {  	[tilespmem:s15], [sflag:$0x1] =	stream.indirect.gather [hbm4b:s1+s14], $0x80, s4, s14, $0xb8;
	[tilespmem:$0x16900] =	vst v63  }
0x2f: {  	_ =	swait.ge [sflag:s16], $0x2800  }
.Ltmp0:
0x30: {  	[sflag:s16] =	ssyncset.done $0x0;
	(pc) =	sbr.rel @p0 .LBB2_2-.Ltmp0, $4  }
0x31: {  	[sflag:s16] =	ssyncadd.s32 $0xFFFFD800  }
0x32: {  	[spmem:s3] =	stream.indirect.scatter.add.f32 [tilespmem:s15], [sflag:$0x2], $0x80, s13, s14, $0xb8;
	[tilespmem:$0x16900] =	vst v63  }
0x33: {  	_ =	swait.ge [sflag:s12], $0x2800  }
0x34: {  	s19 =	smov.u32 s22;
	[sflag:s12] =	ssyncset.done $0x0  }
0x35: {  	s19 =	sadd.s32 s18, s10;
	[sflag:s12] =	ssyncadd.s32 $0xFFFFD800  }
0x36: {  	[tilespmem:s4], [sflag:$0x2] =	stream.linear.gather [hbm4b:s19+s4], $0x50, $0x38;
	[tilespmem:$0x16900] =	vst v63  }
0x37: {  	_ =	swait.ge [sflag:s12], $0x50  }
0x38: {  	[sflag:s12] =	ssyncset.done $0x0  }
0x39: {  	s31 =	sadd.s32 s18, s9;
	[sflag:s12] =	ssyncadd.s32 $0xFFFFFFB0  }
0x3a: {  	[tilespmem:s13], [sflag:$0x2] =	stream.linear.gather [hbm4b:s31+s4], $0x50, $0x38;
	[tilespmem:$0x16900] =	vst v63  }
0x3b: {  	_ =	swait.ge [sflag:s12], $0x50  }
0x3c: {  	[sflag:s12] =	ssyncset.done $0x0  }
0x3d: {  	[sflag:s12] =	ssyncadd.s32 $0xFFFFFFB0  }
0x3e: {  	[tilespmem:s15], [sflag:$0x1] =	stream.indirect.gather [hbm4b:s1+s14], $0x80, s4, s14, $0xb8;
	[tilespmem:$0x16900] =	vst v63  }
0x3f: {  	_ =	swait.ge [sflag:s16], $0x2800  }
0x40: {  	[sflag:s16] =	ssyncset.done $0x0  }
0x41: {  	[sflag:s16] =	ssyncadd.s32 $0xFFFFD800  }
0x42: {  	[spmem:s3] =	stream.indirect.scatter.add.f32 [tilespmem:s15], [sflag:$0x2], $0x80, s13, s14, $0xb8;
	[tilespmem:$0x16900] =	vst v63  }
0x43: {  	_ =	swait.ge [sflag:s12], $0x2800  }
0x44: {  	s17 =	sadd.s32 $0x1, s17;
	[sflag:s12] =	ssyncset.done $0x0  }
0x45: {  	p0 =	sne.s32 s17, s8;
	[sflag:s12] =	ssyncadd.s32 $0xFFFFD800  }
.Ltmp1:
0x46: {  	[bflag:$0x0] =	sbarrier.arrive $0xFFFF;
	(pc) =	sbr.rel @p0 .LBB2_1-.Ltmp1, $4  }
0x47: {  	[hbm:s7], [sflag:s6] =	dma.local [spmem:s11], $0x2800  }
0x48: {  	_ =	swait.ge [sflag:s12], $0x2800  }
0x49: {  	[sflag:s12] =	ssyncset.done $0x0  }
0x4a: {  	[sflag:s12] =	ssyncadd.s32 $0xFFFFD800  }
0x4b: {  	_ =	sfence.sel $0x180000  }
0x4c: {  	[bflag:$0x0] =	sbarrier.arrive $0xFFFF  }
0x4d: {  	p0 =	sne.s32 s0, $0x0;
	_ =	strace $0x9000004D  }
0x4e: {  	s0 =	sadd.s32 @!p0 $0x100000, s2;
	[bflag:$0x2] =	sbarrier.arrive $0xFFFF  }
0x4f: {  	[sflag:s0] =	ssyncadd.tile.s32 @!p0 $0x1;
	_ =	shalt  }
.Lfunc_end2:
_tile_overlayer_lowered:
.L_overlay_start_2:
0x50: {  	(tag) =	ssettag $0x2  }
0x51: {  	s0 =	rddreg [dreg:$0x0];
	s2 =	stileid.u32  }
0x52: {  	s1 =	rddreg [dreg:$0x1];
	p0 =	sne.s32 s2, $0x0  }
0x53: {  	s3 =	rddreg [dreg:$0x2];
	[bflag:$0x3] =	sbarrier.arrive $0xFFFF;
	s2 =	simm.s32 @!p0 $0x1C02  }
0x54: {  	[timem:s3], [sflag:s2] =	dma.local @!p0 [hbm:s0], s1  }
0x55: {  	s0 =	simm.s32 @!p0 $0x2  }
0x56: {  	_ =	swait.ge @!p0 [sflag:s0], s1  }
0x57: {  	s1 =	ssub.s32 @!p0 $0x0, s1;
	[sflag:s0] =	ssyncset.done @!p0 $0x0  }
0x58: {  	[sflag:s0] =	ssyncadd.s32 @!p0 s1  }
0x59: {  	[bflag:$0x3] =	sbarrier.arrive $0xFFFF  }
0x5a: {  	_ =	shalt  }

// kernel: kernel.19.cloned.1.call-start
scs
__scs_entry_jumppad:
0x0: {  	(pc) =	sbr.rel $0x88, $3  }
0x1: {  	(tag) =	ssettag $0x0;
	lr =	simm.s32 $0x1  }
0x2: {  	[smem:$0x3F95] =	sst lr;
	_ =	strace $0xD0000000  }
0x3: {  	_ = 	snop  }
0x4: {  	_ = 	snop  }
0x5: {  	_ = 	snop  }
0x6: {  	_ = 	snop  }
0x7: {  	_ = 	snop  }
__scs_overlays_trampoline_lowered:
0x8: {  	[smem:$0x3FA4] =	sst s0  }
0x9: {  	[smem:$0x3FA5] =	sst s1  }
0xa: {  	[smem:$0x3FA6] =	sst s2  }
0xb: {  	[smem:$0x3FA7] =	sst s3  }
0xc: {  	[smem:$0x3FA8] =	sst s4  }
0xd: {  	[smem:$0x3FA9] =	sst s5  }
0xe: {  	[smem:$0x3FAA] =	sst s6  }
0xf: {  	[smem:$0x3FAB] =	sst s7  }
0x10: {  	[smem:$0x3FAC] =	sst s8  }
0x11: {  	[smem:$0x3FAD] =	sst s9;
	s0 =	simm.s32 @!p0 $0x0  }
0x12: {  	s1 =	sld [smem:$0x3F93];
	s0 =	simm.s32 @p0 $0x1  }
0x13: {  	[smem:$0x3FAE] =	sst s0;
	s0 =	simm.s32 @!p1 $0x0  }
0x14: {  	s2 =	sld [smem:$0x3F92];
	s0 =	simm.s32 @p1 $0x1  }
0x15: {  	[smem:$0x3FAF] =	sst s0;
	s0 =	simm.s32 @!p2 $0x0  }
0x16: {  	s3 =	sld [smem:$0x3FDB];
	s0 =	simm.s32 @p2 $0x1  }
0x17: {  	s4 =	simm.s32 $0x1BF5;
	[smem:$0x3FB1] =	sst s0  }
0x18: {  	s0 =	sld [smem:$0x3F94];
	_ =	swait.ge [sflag:s4], $0x0  }
0x19: {  	s7 =	sld [smem:$0x3F95]  }
0x1a: {  	s8 =	sadd.s32 $0xFFFFE003, lr  }
0x1b: {  	s9 =	sadd.s32 $0xFFFFFEF7, lr;
	s5 =	simm.s32 $0xFFFFFFFF;
	p2 =	slt.u32 s8, $0xFFFFF086  }
0x1c: {  	p1 =	slt.u32 s9, $0xF7A;
	s5 =	simm.s32 @!p2 $0x0  }
0x1d: {  	s5 =	simm.s32 @p1 $0x1;
	p0 =	seq.s32 s7, s2  }
0x1e: {  	s7 =	smul.u32 @!p0 $0xF7A, s2;
	p2 =	seq.s32 @!p0 s5, $0x0  }
0x1f: {  	s9 =	smul.u32 $0xF7A, s1;
	s8 =	simm.s32 @!p0 $0x1BF5;
	p2 =	por !p2, p0  }
0x20: {  	[sflag:s8] =	ssyncset.s32 @!p0 $0xFFFFF086;
	s6 =	sadd.s32 @!p0 s3, s7;
	s7 =	simm.s32 @!p0 $0x108  }
0x21: {  	s3 =	sadd.s32 s3, s9;
	s6 =	sadd.s32 @!p0 $0x88, s6;
	s7 =	simm.s32 @p2 $0x1082  }
0x22: {  	[simem:s7], [sflag:s8] =	dma.local @!p0 [hbm:s6], $0xF7A  }
0x23: {  	s9 =	sor.u32 $0xD0000000, s2;
	s6 =	simm.s32 $0x108;
	_ =	swait.ge @!p0 [sflag:s8], $0x0  }
0x24: {  	s3 =	sadd.s32 $0x88, s3;
	s6 =	simm.s32 @!p1 $0x1082;
	[sflag:s4] =	ssyncset.s32 $0xFFFFF086  }
0x25: {  	[simem:s6], [sflag:s4] =	dma.local [hbm:s3], $0xF7A  }
0x26: {  	[smem:$0x3F95] =	sst s1;
	(tag) =	ssettag s2;
	_ =	strace s9  }
0x27: {  	s1 =	sld [smem:$0x3FA5]  }
0x28: {  	s2 =	sld [smem:$0x3FA6]  }
0x29: {  	s4 =	sld [smem:$0x3FA8]  }
0x2a: {  	p0 =	seq.s32 s5, $0x0;
	s5 =	sld [smem:$0x3FA9]  }
0x2b: {  	s6 =	sld [smem:$0x3FAA]  }
0x2c: {  	s7 =	sld [smem:$0x3FAB]  }
0x2d: {  	s3 =	simm.s32 $0x108;
	s8 =	sld [smem:$0x3FAC]  }
0x2e: {  	s3 =	simm.s32 @!p0 $0x1082;
	s9 =	sld [smem:$0x3FAD]  }
0x2f: {  	lr =	sadd.s32 s0, s3;
	s0 =	sld [smem:$0x3FA4]  }
0x30: {  	s3 =	sld [smem:$0x3FA7]  }
0x31: {  	[smem:$0x3FB0] =	sst s10  }
0x32: {  	s10 =	sld [smem:$0x3FAE];
	_ =	sdelay $0x3  }
0x33: {  	p0 =	seq.s32 s10, $0x1;
	s10 =	sld [smem:$0x3FB0];
	_ =	sdelay $0x3  }
0x34: {  	[smem:$0x3FB0] =	sst s10  }
0x35: {  	s10 =	sld [smem:$0x3FAF];
	_ =	sdelay $0x3  }
0x36: {  	p1 =	seq.s32 s10, $0x1;
	s10 =	sld [smem:$0x3FB0];
	_ =	sdelay $0x3  }
0x37: {  	[smem:$0x3FB0] =	sst s10  }
0x38: {  	s10 =	sld [smem:$0x3FB1]  }
0x39: {  	_ = 	snop;
	(pc) =	sbr.ind lr, $3  }
0x3a: {  	_ = 	snop  }
0x3b: {  	_ = 	snop  }
0x3c: {  	p2 =	seq.s32 s10, $0x1;
	s10 =	sld [smem:$0x3FB0]  }
0x3d: {  	_ =	shalt  }
0x3e: {  	_ =	shalt  }
0x3f: {  	_ =	shalt  }
0x40: {  	_ =	shalt  }
0x41: {  	_ =	shalt  }
0x42: {  	_ =	shalt  }
0x43: {  	_ =	shalt  }
0x44: {  	_ =	shalt  }
0x45: {  	_ =	shalt  }
0x46: {  	_ =	shalt  }
0x47: {  	_ =	shalt  }
0x48: {  	_ =	shalt  }
0x49: {  	_ =	shalt  }
0x4a: {  	_ =	shalt  }
0x4b: {  	_ =	shalt  }
0x4c: {  	_ =	shalt  }
0x4d: {  	_ =	shalt  }
0x4e: {  	_ =	shalt  }
0x4f: {  	_ =	shalt  }
0x50: {  	_ =	shalt  }
0x51: {  	_ =	shalt  }
0x52: {  	_ =	shalt  }
0x53: {  	_ =	shalt  }
0x54: {  	_ =	shalt  }
0x55: {  	_ =	shalt  }
0x56: {  	_ =	shalt  }
0x57: {  	_ =	shalt  }
0x58: {  	_ =	shalt  }
0x59: {  	_ =	shalt  }
0x5a: {  	_ =	shalt  }
0x5b: {  	_ =	shalt  }
0x5c: {  	_ =	shalt  }
0x5d: {  	_ =	shalt  }
0x5e: {  	_ =	shalt  }
0x5f: {  	_ =	shalt  }
0x60: {  	_ =	shalt  }
0x61: {  	_ =	shalt  }
0x62: {  	_ =	shalt  }
0x63: {  	_ =	shalt  }
0x64: {  	_ =	shalt  }
0x65: {  	_ =	shalt  }
0x66: {  	_ =	shalt  }
0x67: {  	_ =	shalt  }
0x68: {  	_ =	shalt  }
0x69: {  	_ =	shalt  }
0x6a: {  	_ =	shalt  }
0x6b: {  	_ =	shalt  }
0x6c: {  	_ =	shalt  }
0x6d: {  	_ =	shalt  }
0x6e: {  	_ =	shalt  }
0x6f: {  	_ =	shalt  }
0x70: {  	_ =	shalt  }
0x71: {  	_ =	shalt  }
0x72: {  	_ =	shalt  }
0x73: {  	_ =	shalt  }
0x74: {  	_ =	shalt  }
0x75: {  	_ =	shalt  }
0x76: {  	_ =	shalt  }
0x77: {  	_ =	shalt  }
0x78: {  	_ =	shalt  }
0x79: {  	_ =	shalt  }
0x7a: {  	_ =	shalt  }
0x7b: {  	_ =	shalt  }
0x7c: {  	_ =	shalt  }
0x7d: {  	_ =	shalt  }
0x7e: {  	_ =	shalt  }
0x7f: {  	_ =	shalt  }
0x80: {  	_ =	shalt  }
0x81: {  	_ =	shalt  }
0x82: {  	_ =	shalt  }
0x83: {  	_ =	shalt  }
0x84: {  	_ =	shalt  }
0x85: {  	_ =	shalt  }
0x86: {  	_ =	shalt  }
0x87: {  	_ =	shalt  }
.Lfunc_end0:
.L_simem_size_0:
called_computation.3_lowered:
.L_overlay_start_0:
0x88: {  	s2 =	sld [smem:$0x3FD9]  }
0x89: {  	s3 =	sld [smem:$0x3FFE];
	_ =	sdelay $0x1  }
0x8a: {  	s1 =	srdreg.scid  }
0x8b: {  	s0 =	sand.u32 $0x1, s1  }
0x8c: {  	s17 =	sshll.u32 s0, $0xA;
	s2 =	sadd.s32 s3, s2  }
0x8d: {  	s2 =	sadd.s32 s2, s17  }
0x8e: {  	[smem:$0x3FBC] =	sst s2  }
0x8f: {  	_ = 	snop  }
0x90: {  	s2 =	sld [smem:$0x3FD0];
	(tm) =	ssettm $0x1  }
0x91: {  	s18 =	sld [smem:$0x3FFB];
	_ =	sdelay $0x3  }
0x92: {  	_ =	strace s18  }
0x93: {  	s3 =	sld [smem:$0x3FFC];
	_ =	sdelay $0x3  }
0x94: {  	_ =	strace s3  }
0x95: {  	s3 =	sld [smem:$0x3FFD];
	_ =	sdelay $0x3  }
0x96: {  	_ =	strace s3  }
0x97: {  	_ =	strace $0x8FFFFFFF  }
0x98: {  	s19 =	sld [smem:$0x3FDB];
	_ =	sdelay $0x1  }
0x99: {  	s4 =	simm.s32 $_scs_section_size  }
0x9a: {  	s5 =	simm.s32 $_size__tile_overlayer_lowered;
	s6 =	simm.s32 $_tile_overlayer_lowered  }
0x9b: {  	s22 =	simm.s32 $0x1BFF;
	s21 =	sshll.u32 s6, $0x1;
	s3 =	sadd.s32 s4, s19  }
0x9c: {  	s7 =	simm.s32 $0x0;
	s20 =	sshll.u32 s5, $0x1;
	s5 =	sadd.s32 s21, s3  }
0x9d: {  	[timem:s7], [sflag:s22] =	dma.local [hbm:s5], s20  }
0x9e: {  	_ =	swait.ge [sflag:s22], s20  }
0x9f: {  	s4 =	ssub.s32 $0x0, s20;
	[sflag:s22] =	ssyncset.done $0x0  }
0xa0: {  	[sflag:s22] =	ssyncadd.s32 s4;
	_ =	sdelay $0x1  }
0xa1: {  	s23 =	simm.s32 $0x1B8B  }
0xa2: {  	_ =	swait.ge [sflag:s23], $0x1  }
0xa3: {  	[sflag:s23] =	ssyncset.done $0x0  }
0xa4: {  	s25 =	simm.s32 $0x1B8E;
	s24 =	sld [smem:$0x3FFE];
	[sflag:s23] =	ssyncadd.s32 $0xFFFFFFFF  }
0xa5: {  	s26 =	simm.s32 $execute0_lowered;
	[smem:$0x3FD2] =	sst s25  }
0xa6: {  	s5 =	sshll.u32 s26, $0x1;
	_ =	strace $0x8000004F;
	[dreg:$0x1] =	wrdreg $0xFFFFFFFF  }
0xa7: {  	s28 =	simm.s32 $_size_execute0_lowered;
	s3 =	sadd.s32 s3, s5;
	[dreg:$0x0] =	wrdreg $0x0  }
0xa8: {  	s5 =	sshll.u32 s28, $0x1;
	[dreg:$0x2] =	wrdreg s3  }
0xa9: {  	[dreg:$0x3] =	wrdreg s5  }
0xaa: {  	[dreg:$0x4] =	wrdreg $0xC0  }
0xab: {  	_ =	task [dreg:s7], $0x5FFFF  }
0xac: {  	[dreg:$0x1] =	wrdreg $0xFFFFFFFF  }
0xad: {  	[dreg:$0x0] =	wrdreg $0x60  }
0xae: {  	[dreg:$0x2] =	wrdreg s2  }
0xaf: {  	[dreg:$0x3] =	wrdreg s24  }
0xb0: {  	[dreg:$0x4] =	wrdreg $0x29000  }
0xb1: {  	[dreg:$0x5] =	wrdreg $0x9  }
0xb2: {  	_ =	task.clear_ibuf [dreg:s7], $0x6FFFF;
	_ =	strace $0x9000004F  }
0xb3: {  	s29 =	simm.s32 $0x9;
	_ =	strace $0x80000051  }
0xb4: {  	_ =	swait.ge [sflag:s29], $0x1  }
0xb5: {  	[sflag:s29] =	ssyncadd.s32 $0xFFFFFFFF  }
0xb6: {  	_ =	strace $0x90000051  }
0xb7: {  	_ =	sfence  }
0xb8: {  	s30 =	sld [smem:$0x0];
	_ =	sdelay $0x2  }
0xb9: {  	s31 =	sshll.u32 s1, $0xD;
	s1 =	sshrl.u32 s1, $0x2  }
0xba: {  	s3 =	sand.u32 $0x4000, s31;
	s1 =	sadd.s32 s1, s30  }
0xbb: {  	s0 =	sor.u32 s3, s0;
	s1 =	sshll.u32 s1, $0x11  }
0xbc: {  	s0 =	sor.u32 s1, s0  }
0xbd: {  	s0 =	sadd.s32 $0x8F2B, s0  }
0xbe: {  	[sflag:s0] =	ssyncadd.remote.s32 $0x1  }
0xbf: {  	_ =	sfence.sel $0xFFFF  }
0xc0: {  	[dreg:$0x0] =	wrdreg $0xFFFFFFFF;
	(pc) =	sbr.abs _section_cstart, $3  }
0xc1: {  	[dreg:$0x1] =	wrdreg $0xFFFFFFFF  }
0xc2: {  	_ =	task.clear_ibuf [dreg:s7], $0x2FFFF;
	_ =	strace $0x9FFFFFFF  }
0xc3: {  	(tm) =	ssettm $0x7FFFFFFF  }
tec
execute0_lowered:
.L_overlay_start_1:
0x0: {  	(tag) =	ssettag $0x1  }
0x1: {  	s1 =	rddreg [dreg:$0x0]  }
0x2: {  	s2 =	srdreg.scid;
	s5 =	rddreg [dreg:$0x1]  }
0x3: {  	s0 =	stileid.u32;
	s3 =	rddreg [dreg:$0x2];
	s4 =	simm.s32 $0x0  }
0x4: {  	s13 =	simm.s32 $0x80;
	s14 =	simm.s32 $0x50;
	s7 =	smul.u32 $0x4E20, s0  }
0x5: {  	s15 =	simm.s32 $0x100;
	s16 =	simm.s32 $0x1;
	s26 =	smul.u32 $0x14000, s0  }
0x6: {  	s6 =	sand.u32 $0x1, s2;
	s2 =	rddreg [dreg:$0x3];
	s29 =	smul.u32 $0x50000, s0  }
0x7: {  	s17 =	simm.s32 $0x0;
	[smem:$0x7FF] =	sst s4;
	s8 =	smul.u32 $0x2710, s6  }
0x8: {  	s31 =	sshll.u32 s0, $0x6;
	s9 =	smul.u32 $0x140000, s6;
	s6 =	ssub.s32 $0x2, s6  }
0x9: {  	_ =	strace $0x80000050;
	s28 =	sshrl.u32 s26, $0x3;
	s11 =	sshrl.u32 s6, $0x1  }
0xa: {  	s30 =	sshrl.u32 s29, $0x2;
	s7 =	sadd.s32 s8, s7;
	s8 =	sadd.s32 s26, s9  }
0xb: {  	s11 =	ssub.s32 s6, s11;
	s12 =	sadd.s32 s30, s3;
	s7 =	sshrl.u32 s7, $0x3  }
0xc: {  	s8 =	sshrl.u32 s8, $0x3;
	s10 =	sadd.s32 s7, s5;
	s7 =	sadd.s32 s28, s5  }
0xd: {  	s6 =	sor.u32 $0x1C02, s31;
	s8 =	sadd.s32 s8, s5;
	s5 =	sadd.s32 $0x17800, s7  }
0xe: {  	s7 =	sadd.s32 $0xDF800, s8;
	s8 =	smax.u32 s11, $0x1;
	s9 =	sadd.s32 $0x3C00, s10  }
0xf: {  	s10 =	sadd.s32 $0xDA00, s10;
	s11 =	sshrl.u32 s12, $0x3;
	s12 =	simm.s32 $0x2  }
.LBB2_1:
0x10: {  	[spmem:s11], [sflag:s6] =	dma.local [hbm:s5], $0x2800  }
0x11: {  	_ =	swait.ge [sflag:s12], $0x2800  }
0x12: {  	[sflag:s12] =	ssyncset.done $0x0  }
0x13: {  	[sflag:s12] =	ssyncadd.s32 $0xFFFFD800  }
0x14: {  	s18 =	sadd.s32 $0x0, s10;
	[bflag:$0x0] =	sbarrier.arrive $0xFFFF  }
0x15: {  	[tilespmem:s4], [sflag:$0x2] =	stream.linear.gather [hbm4b:s18+s4], $0x50, $0x38;
	[tilespmem:$0x16900] =	vst v63  }
0x16: {  	_ =	swait.ge [sflag:s12], $0x50  }
0x17: {  	[sflag:s12] =	ssyncset.done $0x0  }
0x18: {  	s31 =	sadd.s32 $0x0, s9;
	[sflag:s12] =	ssyncadd.s32 $0xFFFFFFB0  }
0x19: {  	[tilespmem:s13], [sflag:$0x2] =	stream.linear.gather [hbm4b:s31+s4], $0x50, $0x38;
	[tilespmem:$0x16900] =	vst v63  }
0x1a: {  	_ =	swait.ge [sflag:s12], $0x50  }
0x1b: {  	[sflag:s12] =	ssyncset.done $0x0  }
0x1c: {  	[sflag:s12] =	ssyncadd.s32 $0xFFFFFFB0  }
0x1d: {  	[tilespmem:s15], [sflag:$0x1] =	stream.indirect.gather [hbm4b:s1+s14], $0x80, s4, s14, $0xb8;
	[tilespmem:$0x16900] =	vst v63  }
0x1e: {  	_ =	swait.ge [sflag:s16], $0x2800  }
0x1f: {  	[sflag:s16] =	ssyncset.done $0x0  }
0x20: {  	[sflag:s16] =	ssyncadd.s32 $0xFFFFD800  }
0x21: {  	[spmem:s3] =	stream.indirect.scatter.add.f32 [tilespmem:s15], [sflag:$0x2], $0x80, s13, s14, $0xb8;
	[tilespmem:$0x16900] =	vst v63  }
0x22: {  	_ =	swait.ge [sflag:s12], $0x2800  }
0x23: {  	s19 =	simm.s32 $0x14;
	s18 =	simm.s32 $0xA;
	[sflag:s12] =	ssyncset.done $0x0  }
.LBB2_2:
0x24: {  	s20 =	sadd.s32 s18, s10  }
0x25: {  	[sflag:s12] =	ssyncadd.s32 $0xFFFFD800;
	s21 =	smov.u32 s19;
	s22 =	sadd.s32 $0xA, s19  }
0x26: {  	[tilespmem:s4], [sflag:$0x2] =	stream.linear.gather [hbm4b:s20+s4], $0x50, $0x38;
	[tilespmem:$0x16900] =	vst v63  }
0x27: {  	p0 =	sne.s32 s19, $0x4D8;
	_ =	swait.ge [sflag:s12], $0x50  }
0x28: {  	[sflag:s12] =	ssyncset.done $0x0  }
0x29: {  	s19 =	sadd.s32 s18, s9;
	s18 =	smov.u32 s21;
	[sflag:s12] =	ssyncadd.s32 $0xFFFFFFB0  }
0x2a: {  	[tilespmem:s13], [sflag:$0x2] =	stream.linear.gather [hbm4b:s19+s4], $0x50, $0x38;
	[tilespmem:$0x16900] =	vst v63  }
0x2b: {  	_ =	swait.ge [sflag:s12], $0x50  }
0x2c: {  	[sflag:s12] =	ssyncset.done $0x0  }
0x2d: {  	[sflag:s12] =	ssyncadd.s32 $0xFFFFFFB0  }
0x2e: {  	[tilespmem:s15], [sflag:$0x1] =	stream.indirect.gather [hbm4b:s1+s14], $0x80, s4, s14, $0xb8;
	[tilespmem:$0x16900] =	vst v63  }
0x2f: {  	_ =	swait.ge [sflag:s16], $0x2800  }
.Ltmp0:
0x30: {  	[sflag:s16] =	ssyncset.done $0x0;
	(pc) =	sbr.rel @p0 .LBB2_2-.Ltmp0, $4  }
0x31: {  	[sflag:s16] =	ssyncadd.s32 $0xFFFFD800  }
0x32: {  	[spmem:s3] =	stream.indirect.scatter.add.f32 [tilespmem:s15], [sflag:$0x2], $0x80, s13, s14, $0xb8;
	[tilespmem:$0x16900] =	vst v63  }
0x33: {  	_ =	swait.ge [sflag:s12], $0x2800  }
0x34: {  	s19 =	smov.u32 s22;
	[sflag:s12] =	ssyncset.done $0x0  }
0x35: {  	s19 =	sadd.s32 s18, s10;
	[sflag:s12] =	ssyncadd.s32 $0xFFFFD800  }
0x36: {  	[tilespmem:s4], [sflag:$0x2] =	stream.linear.gather [hbm4b:s19+s4], $0x50, $0x38;
	[tilespmem:$0x16900] =	vst v63  }
0x37: {  	_ =	swait.ge [sflag:s12], $0x50  }
0x38: {  	[sflag:s12] =	ssyncset.done $0x0  }
0x39: {  	s31 =	sadd.s32 s18, s9;
	[sflag:s12] =	ssyncadd.s32 $0xFFFFFFB0  }
0x3a: {  	[tilespmem:s13], [sflag:$0x2] =	stream.linear.gather [hbm4b:s31+s4], $0x50, $0x38;
	[tilespmem:$0x16900] =	vst v63  }
0x3b: {  	_ =	swait.ge [sflag:s12], $0x50  }
0x3c: {  	[sflag:s12] =	ssyncset.done $0x0  }
0x3d: {  	[sflag:s12] =	ssyncadd.s32 $0xFFFFFFB0  }
0x3e: {  	[tilespmem:s15], [sflag:$0x1] =	stream.indirect.gather [hbm4b:s1+s14], $0x80, s4, s14, $0xb8;
	[tilespmem:$0x16900] =	vst v63  }
0x3f: {  	_ =	swait.ge [sflag:s16], $0x2800  }
0x40: {  	[sflag:s16] =	ssyncset.done $0x0  }
0x41: {  	[sflag:s16] =	ssyncadd.s32 $0xFFFFD800  }
0x42: {  	[spmem:s3] =	stream.indirect.scatter.add.f32 [tilespmem:s15], [sflag:$0x2], $0x80, s13, s14, $0xb8;
	[tilespmem:$0x16900] =	vst v63  }
0x43: {  	_ =	swait.ge [sflag:s12], $0x2800  }
0x44: {  	s17 =	sadd.s32 $0x1, s17;
	[sflag:s12] =	ssyncset.done $0x0  }
0x45: {  	p0 =	sne.s32 s17, s8;
	[sflag:s12] =	ssyncadd.s32 $0xFFFFD800  }
.Ltmp1:
0x46: {  	[bflag:$0x0] =	sbarrier.arrive $0xFFFF;
	(pc) =	sbr.rel @p0 .LBB2_1-.Ltmp1, $4  }
0x47: {  	[hbm:s7], [sflag:s6] =	dma.local [spmem:s11], $0x2800  }
0x48: {  	_ =	swait.ge [sflag:s12], $0x2800  }
0x49: {  	[sflag:s12] =	ssyncset.done $0x0  }
0x4a: {  	[sflag:s12] =	ssyncadd.s32 $0xFFFFD800  }
0x4b: {  	_ =	sfence.sel $0x180000  }
0x4c: {  	[bflag:$0x0] =	sbarrier.arrive $0xFFFF  }
0x4d: {  	p0 =	sne.s32 s0, $0x0;
	_ =	strace $0x90000050  }
0x4e: {  	s0 =	sadd.s32 @!p0 $0x100000, s2;
	[bflag:$0x2] =	sbarrier.arrive $0xFFFF  }
0x4f: {  	[sflag:s0] =	ssyncadd.tile.s32 @!p0 $0x1;
	_ =	shalt  }
.Lfunc_end2:
_tile_overlayer_lowered:
.L_overlay_start_2:
0x50: {  	(tag) =	ssettag $0x2  }
0x51: {  	s0 =	rddreg [dreg:$0x0];
	s2 =	stileid.u32  }
0x52: {  	s1 =	rddreg [dreg:$0x1];
	p0 =	sne.s32 s2, $0x0  }
0x53: {  	s3 =	rddreg [dreg:$0x2];
	[bflag:$0x3] =	sbarrier.arrive $0xFFFF;
	s2 =	simm.s32 @!p0 $0x1C02  }
0x54: {  	[timem:s3], [sflag:s2] =	dma.local @!p0 [hbm:s0], s1  }
0x55: {  	s0 =	simm.s32 @!p0 $0x2  }
0x56: {  	_ =	swait.ge @!p0 [sflag:s0], s1  }
0x57: {  	s1 =	ssub.s32 @!p0 $0x0, s1;
	[sflag:s0] =	ssyncset.done @!p0 $0x0  }
0x58: {  	[sflag:s0] =	ssyncadd.s32 @!p0 s1  }
0x59: {  	[bflag:$0x3] =	sbarrier.arrive $0xFFFF  }
0x5a: {  	_ =	shalt  }

</sc_bundles>
